<compile_context>
chip_gen: v7x
topology: tpu7x:2x2x1
jax: 0.10.2.dev20260603
libtpu: 0.0.44.dev20260713+nightly
codegen_flags: <defaults>
</compile_context>

<pallas_src>
import jax
import jax.numpy as jnp
from jax import lax
from jax.experimental import pallas as pl
from jax.experimental.pallas import tpu as pltpu
from jax.experimental.pallas import tpu_sc as plsc

B, S = 4096, 200
V, D, C = 100000, 64, 1000
HPAD = 208
NC, NS = 2, 16
NW = NC * NS
RPW = B // NW
L = 16
NBUF = 4

_SC_PARAMS = pltpu.CompilerParams(use_tc_tiling_on_sc=False,
                                  needs_layout_passes=False)


def _sc_body(x_hbm, emb_hbm, emb_out_hbm, hist_out_hbm,
             xbuf, rows, emb_acc, hist_acc, sem):
    wid = lax.axis_index("s") * NC + lax.axis_index("c")
    base = wid * RPW

    pltpu.sync_copy(x_hbm.at[pl.ds(base, RPW)], xbuf)

    zeros16 = jnp.zeros((L,), jnp.float32)
    ones16 = jnp.ones((L,), jnp.float32)
    iota16 = lax.iota(jnp.int32, L)

    def _zero_row(r, carry):
        for k in range(HPAD // L):
            hist_acc[r, pl.ds(k * L, L)] = zeros16
        return carry
    lax.fori_loop(0, RPW, _zero_row, 0)

    def _fire(r, buf):
        pltpu.async_copy(emb_hbm.at[xbuf.at[r, pl.ds(0, 128)]],
                         rows.at[buf, pl.ds(0, 128)], sem)
        pltpu.async_copy(emb_hbm.at[xbuf.at[r, pl.ds(128, S - 128)]],
                         rows.at[buf, pl.ds(128, S - 128)], sem)

    def _drain(r, buf):
        pltpu.make_async_copy(emb_hbm.at[xbuf.at[r, pl.ds(0, 128)]],
                              rows.at[buf, pl.ds(0, 128)], sem).wait()
        pltpu.make_async_copy(emb_hbm.at[xbuf.at[r, pl.ds(128, S - 128)]],
                              rows.at[buf, pl.ds(128, S - 128)], sem).wait()

    for rr in range(NBUF):
        _fire(rr, rr)

    def _row(r, carry):
        buf = lax.rem(r, NBUF)

        _drain(r, buf)

        def _tok(k, accs):
            a0, a1, a2, a3 = accs
            for u in range(8):
                j = k * 8 + u
                a0 = a0 + rows[buf, j, pl.ds(0, L)]
                a1 = a1 + rows[buf, j, pl.ds(L, L)]
                a2 = a2 + rows[buf, j, pl.ds(2 * L, L)]
                a3 = a3 + rows[buf, j, pl.ds(3 * L, L)]
            return a0, a1, a2, a3
        z4 = (zeros16, zeros16, zeros16, zeros16)
        a0, a1, a2, a3 = lax.fori_loop(0, S // 8, _tok, z4)
        emb_acc[r, pl.ds(0, L)] = a0
        emb_acc[r, pl.ds(L, L)] = a1
        emb_acc[r, pl.ds(2 * L, L)] = a2
        emb_acc[r, pl.ds(3 * L, L)] = a3

        rvec = jnp.full((L,), r, jnp.int32)
        for g in range((S + L - 1) // L):
            tok = iota16 + (g * L)
            ia = jnp.minimum(tok, S - 1)
            ib = jnp.minimum(tok + 1, S - 1)
            a = plsc.load_gather(xbuf, [rvec, ia])
            b = plsc.load_gather(xbuf, [rvec, ib])
            h = a + 100 * b
            q = (h.astype(jnp.float32) * (1.0 / 199.0)).astype(jnp.int32)
            t = h - q * 199
            t = jnp.where(t < 0, t + 199, t)
            t = jnp.where(t >= 199, t - 199, t) + 1
            t = jnp.where(tok < S - 1, t, 0)
            plsc.addupdate_scatter(hist_acc, [rvec, t], ones16)

        @pl.when(r + NBUF < RPW)
        def _():
            _fire(r + NBUF, buf)
        return carry

    lax.fori_loop(0, RPW, _row, 0)

    pltpu.sync_copy(emb_acc, emb_out_hbm.at[pl.ds(base, RPW)])
    pltpu.sync_copy(hist_acc, hist_out_hbm.at[pl.ds(base, RPW)])


def _sc_pool(x, W_emb):
    mesh = plsc.VectorSubcoreMesh(core_axis_name="c", subcore_axis_name="s",
                                  num_cores=NC, num_subcores=NS)
    f = pl.kernel(
        _sc_body,
        out_type=(jax.ShapeDtypeStruct((B, D), jnp.float32),
                  jax.ShapeDtypeStruct((B, HPAD), jnp.float32)),
        mesh=mesh,
        compiler_params=_SC_PARAMS,
        scratch_types=[
            pltpu.VMEM((RPW, S), jnp.int32),
            pltpu.VMEM((NBUF, S, D), jnp.float32),
            pltpu.VMEM((RPW, D), jnp.float32),
            pltpu.VMEM((RPW, HPAD), jnp.float32),
            pltpu.SemaphoreType.DMA,
        ],
    )
    return f(x, W_emb)


def _tc_body(emb_ref, hist_ref, wng_ref, fcw_ref, fcb_ref, out_ref):
    emb = emb_ref[...] * (1.0 / S)
    ng = jax.lax.dot_general(hist_ref[...], wng_ref[...],
                             (((1,), (0,)), ((), ())),
                             preferred_element_type=jnp.float32)
    ng = ng * (1.0 / (S - 1))
    w1 = fcw_ref[:, 0:D]
    w2 = fcw_ref[:, D:2 * D]
    o = jax.lax.dot_general(emb, w1, (((1,), (1,)), ((), ())),
                            preferred_element_type=jnp.float32)
    o = o + jax.lax.dot_general(ng, w2, (((1,), (1,)), ((), ())),
                                preferred_element_type=jnp.float32)
    out_ref[...] = o + fcb_ref[...]


def _tc_fc(emb_sum, hist, W_ng, fc_w, fc_b):
    BM = 512
    grid = (B // BM,)
    return pl.pallas_call(
        _tc_body,
        grid=grid,
        in_specs=[
            pl.BlockSpec((BM, D), lambda i: (i, 0)),
            pl.BlockSpec((BM, HPAD), lambda i: (i, 0)),
            pl.BlockSpec((HPAD, D), lambda i: (0, 0)),
            pl.BlockSpec((C, 2 * D), lambda i: (0, 0)),
            pl.BlockSpec((1, C), lambda i: (0, 0)),
        ],
        out_specs=pl.BlockSpec((BM, C), lambda i: (i, 0)),
        out_shape=jax.ShapeDtypeStruct((B, C), jnp.float32),
    )(emb_sum, hist, W_ng, fc_w, fc_b)


def kernel(x, W_emb, W_ng, fc_w, fc_b):
    emb_sum, hist = _sc_pool(x, W_emb)
    return _tc_fc(emb_sum, hist, W_ng[:HPAD], fc_w, fc_b.reshape(1, C))

# --- scband reference (transcript-rebuilt; emitter-appended) ---
"""Pipeline reference for scband-fast-text-82411832476309 (READ-ONLY COPY).

The authoritative reference and input builder live on the scoring server;
editing this copy changes nothing except your own understanding.
"""

import jax, jax.numpy as jnp
import numpy as np

B, S = 4096, 200
V, D, C = 100000, 64, 1000
NGRAM_RANGE = 2


def setup_inputs(seed: int = 0) -> dict:
    key = jax.random.key(seed)
    k1, k2, k3, k4, k5 = jax.random.split(key, 5)
    x = jax.random.randint(k1, (B, S), 0, V, dtype=jnp.int32)
    # nn.Embedding(padding_idx=0): row 0 initialized to zeros
    W_emb = (0.02 * jax.random.normal(k2, (V, D), dtype=jnp.float32)).at[0].set(0.0)
    W_ng = (0.02 * jax.random.normal(k3, (V, D), dtype=jnp.float32)).at[0].set(0.0)
    # nn.Linear(embed_dim * ngram_range, num_classes)
    fan_in = D * NGRAM_RANGE
    bound = 1.0 / np.sqrt(fan_in)
    fc_w = jax.random.uniform(k4, (C, fan_in), dtype=jnp.float32, minval=-bound, maxval=bound)
    fc_b = jax.random.uniform(k5, (C,), dtype=jnp.float32, minval=-bound, maxval=bound)
    return {"x": x, "W_emb": W_emb, "W_ng": W_ng, "fc_w": fc_w, "fc_b": fc_b}


def reference(x, W_emb, W_ng, fc_w, fc_b):
    # unigram embedding, mean over sequence
    embedded = jnp.take(W_emb, x, axis=0).mean(axis=1)  # [B, D]
    # bigram (n=2) hashed indices: x[:, j] * 100**0 + x[:, j+1] * 100**1
    seq_len = x.shape[1]
    h = x[:, :-1] + 100 * x[:, 1:]          # [B, S-1]
    t = h % (seq_len - 1) + 1               # values in [1, seq_len-1]
    ngram_embedded = jnp.take(W_ng, t, axis=0).mean(axis=1)  # [B, D]
    concatenated = jnp.concatenate([embedded, ngram_embedded], axis=1)  # [B, 2D]
    # dropout is identity at inference
    out = concatenated @ fc_w.T + fc_b      # [B, C]
    return out

if __name__ == "__main__":
    import jax
    _d = setup_inputs()
    print(jax.jit(kernel)(*tuple(_d.values())))

</pallas_src>

<mosaic_0001>
#map = affine_map<(d0, d1) -> (0, 0)>
module attributes {stable_mosaic.version = 14 : i64} {
  func.func @_sc_body(%arg0: i32, %arg1: i32, %arg2: memref<4096x200xi32, #tpu.memory_space<hbm>>, %arg3: memref<100000x64xf32, #tpu.memory_space<hbm>>, %arg4: memref<4096x64xf32, #tpu.memory_space<hbm>>, %arg5: memref<4096x208xf32, #tpu.memory_space<hbm>>, %arg6: memref<128x200xi32, #tpu.memory_space<vmem>>, %arg7: memref<4x200x64xf32, #tpu.memory_space<vmem>>, %arg8: memref<128x64xf32, #tpu.memory_space<vmem>>, %arg9: memref<128x208xf32, #tpu.memory_space<vmem>>, %arg10: memref<!tpu.dma_semaphore, #tpu.memory_space<semaphore_mem>>) attributes {dimension_semantics = [#tpu.dimension_semantics<core_parallel>, #tpu.dimension_semantics<subcore_parallel>], iteration_bounds = array<i64: 2, 16>, scalar_prefetch = 0 : i64, scratch_operands = 5 : i64, tpu.core_type = #tpu.core_type<sc_vector_subcore>, window_params = [{transform_indices = #map}, {transform_indices = #map}, {transform_indices = #map}, {transform_indices = #map}]} {
    %mul3A = arith.constant 2 : i32
    %mul3A_0 = arith.muli %arg1, %mul3A : i32
    %add3A = arith.addi %mul3A_0, %arg0 : i32
    %mul3A_1 = arith.constant 128 : i32
    %mul3A_2 = arith.muli %add3A, %mul3A_1 : i32
    "tpu.region"() ({
      %run_scoped3A = tpu.sem_alloc : memref<!tpu.dma_semaphore, #tpu.memory_space<semaphore_mem>>
      %dma_start3A_112 = arith.constant 0 : i32
      %dma_start3A_113 = tpu.memref_slice %arg2[%mul3A_2, %dma_start3A_112] : memref<4096x200xi32, #tpu.memory_space<hbm>> -> memref<128x200xi32, #tpu.memory_space<hbm>>
      %dma_start3A_114 = arith.constant 0 : i32
      %dma_start3A_115 = tpu.memref_slice %arg2[%mul3A_2, %dma_start3A_114] : memref<4096x200xi32, #tpu.memory_space<hbm>> -> memref<128x200xi32, #tpu.memory_space<hbm>>
      tpu.enqueue_dma source(%dma_start3A_115 : memref<128x200xi32, #tpu.memory_space<hbm>>) target(%arg6 : memref<128x200xi32, #tpu.memory_space<vmem>>) target_semaphore(%run_scoped3A : memref<!tpu.dma_semaphore, #tpu.memory_space<semaphore_mem>>)
      %dma_wait3A = arith.constant 0 : i32
      %dma_wait3A_116 = tpu.memref_slice %arg2[%mul3A_2, %dma_wait3A] : memref<4096x200xi32, #tpu.memory_space<hbm>> -> memref<128x200xi32, #tpu.memory_space<hbm>>
      %dma_wait3A_117 = arith.constant 0 : i32
      %dma_wait3A_118 = tpu.memref_slice %arg2[%mul3A_2, %dma_wait3A_117] : memref<4096x200xi32, #tpu.memory_space<hbm>> -> memref<128x200xi32, #tpu.memory_space<hbm>>
      tpu.wait_dma2 semaphore(%run_scoped3A : memref<!tpu.dma_semaphore, #tpu.memory_space<semaphore_mem>>) src(%dma_wait3A_118 : memref<128x200xi32, #tpu.memory_space<hbm>>) dst(%arg6 : memref<128x200xi32, #tpu.memory_space<vmem>>)
      tpu.yield
    }) : () -> ()
    %broadcast_in_dim3A = arith.constant 0.000000e+00 : f32
    %broadcast_in_dim3A_3 = vector.broadcast %broadcast_in_dim3A : f32 to vector<16xf32>
    %broadcast_in_dim3A_4 = arith.constant 1.000000e+00 : f32
    %broadcast_in_dim3A_5 = vector.broadcast %broadcast_in_dim3A_4 : f32 to vector<16xf32>
    %iota3A = tpu.iota {dimensions = array<i32: 0>} : vector<16xi32>
    %scan3A = arith.constant 0 : i32
    %scan3A_6 = arith.constant 0 : i32
    %scan3A_7 = arith.constant 128 : i32
    %scan3A_8 = arith.addi %scan3A_6, %scan3A_7 : i32
    %scan3A_9 = arith.constant 1 : i32
    scf.for %scan3A_112 = %scan3A_6 to %scan3A_8 step %scan3A_9  : i32 {
      %swap3A = arith.index_cast %scan3A_112 : i32 to index
      %swap3A_113 = arith.constant 0 : index
      %swap3A_114 = tpu.vector_load %arg9[%swap3A, %swap3A_113] {strides = array<i32>} : memref<128x208xf32, #tpu.memory_space<vmem>>, vector<16xf32>,
      tpu.vector_store %arg9[%swap3A, %swap3A_113], %broadcast_in_dim3A_3 {strides = array<i32>} : memref<128x208xf32, #tpu.memory_space<vmem>>, vector<16xf32>,
      %swap3A_115 = arith.index_cast %scan3A_112 : i32 to index
      %swap3A_116 = arith.constant 16 : index
      %swap3A_117 = tpu.vector_load %arg9[%swap3A_115, %swap3A_116] {strides = array<i32>} : memref<128x208xf32, #tpu.memory_space<vmem>>, vector<16xf32>,
      tpu.vector_store %arg9[%swap3A_115, %swap3A_116], %broadcast_in_dim3A_3 {strides = array<i32>} : memref<128x208xf32, #tpu.memory_space<vmem>>, vector<16xf32>,
      %swap3A_118 = arith.index_cast %scan3A_112 : i32 to index
      %swap3A_119 = arith.constant 32 : index
      %swap3A_120 = tpu.vector_load %arg9[%swap3A_118, %swap3A_119] {strides = array<i32>} : memref<128x208xf32, #tpu.memory_space<vmem>>, vector<16xf32>,
      tpu.vector_store %arg9[%swap3A_118, %swap3A_119], %broadcast_in_dim3A_3 {strides = array<i32>} : memref<128x208xf32, #tpu.memory_space<vmem>>, vector<16xf32>,
      %swap3A_121 = arith.index_cast %scan3A_112 : i32 to index
      %swap3A_122 = arith.constant 48 : index
      %swap3A_123 = tpu.vector_load %arg9[%swap3A_121, %swap3A_122] {strides = array<i32>} : memref<128x208xf32, #tpu.memory_space<vmem>>, vector<16xf32>,
      tpu.vector_store %arg9[%swap3A_121, %swap3A_122], %broadcast_in_dim3A_3 {strides = array<i32>} : memref<128x208xf32, #tpu.memory_space<vmem>>, vector<16xf32>,
      %swap3A_124 = arith.index_cast %scan3A_112 : i32 to index
      %swap3A_125 = arith.constant 64 : index
      %swap3A_126 = tpu.vector_load %arg9[%swap3A_124, %swap3A_125] {strides = array<i32>} : memref<128x208xf32, #tpu.memory_space<vmem>>, vector<16xf32>,
      tpu.vector_store %arg9[%swap3A_124, %swap3A_125], %broadcast_in_dim3A_3 {strides = array<i32>} : memref<128x208xf32, #tpu.memory_space<vmem>>, vector<16xf32>,
      %swap3A_127 = arith.index_cast %scan3A_112 : i32 to index
      %swap3A_128 = arith.constant 80 : index
      %swap3A_129 = tpu.vector_load %arg9[%swap3A_127, %swap3A_128] {strides = array<i32>} : memref<128x208xf32, #tpu.memory_space<vmem>>, vector<16xf32>,
      tpu.vector_store %arg9[%swap3A_127, %swap3A_128], %broadcast_in_dim3A_3 {strides = array<i32>} : memref<128x208xf32, #tpu.memory_space<vmem>>, vector<16xf32>,
      %swap3A_130 = arith.index_cast %scan3A_112 : i32 to index
      %swap3A_131 = arith.constant 96 : index
      %swap3A_132 = tpu.vector_load %arg9[%swap3A_130, %swap3A_131] {strides = array<i32>} : memref<128x208xf32, #tpu.memory_space<vmem>>, vector<16xf32>,
      tpu.vector_store %arg9[%swap3A_130, %swap3A_131], %broadcast_in_dim3A_3 {strides = array<i32>} : memref<128x208xf32, #tpu.memory_space<vmem>>, vector<16xf32>,
      %swap3A_133 = arith.index_cast %scan3A_112 : i32 to index
      %swap3A_134 = arith.constant 112 : index
      %swap3A_135 = tpu.vector_load %arg9[%swap3A_133, %swap3A_134] {strides = array<i32>} : memref<128x208xf32, #tpu.memory_space<vmem>>, vector<16xf32>,
      tpu.vector_store %arg9[%swap3A_133, %swap3A_134], %broadcast_in_dim3A_3 {strides = array<i32>} : memref<128x208xf32, #tpu.memory_space<vmem>>, vector<16xf32>,
      %swap3A_136 = arith.index_cast %scan3A_112 : i32 to index
      %swap3A_137 = arith.constant 128 : index
      %swap3A_138 = tpu.vector_load %arg9[%swap3A_136, %swap3A_137] {strides = array<i32>} : memref<128x208xf32, #tpu.memory_space<vmem>>, vector<16xf32>,
      tpu.vector_store %arg9[%swap3A_136, %swap3A_137], %broadcast_in_dim3A_3 {strides = array<i32>} : memref<128x208xf32, #tpu.memory_space<vmem>>, vector<16xf32>,
      %swap3A_139 = arith.index_cast %scan3A_112 : i32 to index
      %swap3A_140 = arith.constant 144 : index
      %swap3A_141 = tpu.vector_load %arg9[%swap3A_139, %swap3A_140] {strides = array<i32>} : memref<128x208xf32, #tpu.memory_space<vmem>>, vector<16xf32>,
      tpu.vector_store %arg9[%swap3A_139, %swap3A_140], %broadcast_in_dim3A_3 {strides = array<i32>} : memref<128x208xf32, #tpu.memory_space<vmem>>, vector<16xf32>,
      %swap3A_142 = arith.index_cast %scan3A_112 : i32 to index
      %swap3A_143 = arith.constant 160 : index
      %swap3A_144 = tpu.vector_load %arg9[%swap3A_142, %swap3A_143] {strides = array<i32>} : memref<128x208xf32, #tpu.memory_space<vmem>>, vector<16xf32>,
      tpu.vector_store %arg9[%swap3A_142, %swap3A_143], %broadcast_in_dim3A_3 {strides = array<i32>} : memref<128x208xf32, #tpu.memory_space<vmem>>, vector<16xf32>,
      %swap3A_145 = arith.index_cast %scan3A_112 : i32 to index
      %swap3A_146 = arith.constant 176 : index
      %swap3A_147 = tpu.vector_load %arg9[%swap3A_145, %swap3A_146] {strides = array<i32>} : memref<128x208xf32, #tpu.memory_space<vmem>>, vector<16xf32>,
      tpu.vector_store %arg9[%swap3A_145, %swap3A_146], %broadcast_in_dim3A_3 {strides = array<i32>} : memref<128x208xf32, #tpu.memory_space<vmem>>, vector<16xf32>,
      %swap3A_148 = arith.index_cast %scan3A_112 : i32 to index
      %swap3A_149 = arith.constant 192 : index
      %swap3A_150 = tpu.vector_load %arg9[%swap3A_148, %swap3A_149] {strides = array<i32>} : memref<128x208xf32, #tpu.memory_space<vmem>>, vector<16xf32>,
      tpu.vector_store %arg9[%swap3A_148, %swap3A_149], %broadcast_in_dim3A_3 {strides = array<i32>} : memref<128x208xf32, #tpu.memory_space<vmem>>, vector<16xf32>,
    }
    %scan3A_10 = arith.constant 128 : i32
    %dma_start3A = arith.constant 0 : i32
    %dma_start3A_11 = arith.constant 0 : i32
    %dma_start3A_12 = arith.constant 0 : i32
    %dma_start3A_13 = arith.constant 0 : i32
    %dma_start3A_14 = tpu.memref_slice %arg7[%dma_start3A_11, %dma_start3A_12, %dma_start3A_13] : memref<4x200x64xf32, #tpu.memory_space<vmem>> -> memref<1x128x64xf32, #tpu.memory_space<vmem>>
    %dma_start3A_15 = tpu.memref_squeeze %dma_start3A_14 : memref<1x128x64xf32, #tpu.memory_space<vmem>> -> memref<128x64xf32, #tpu.memory_space<vmem>>
    %dma_start3A_16 = arith.constant 0 : i32
    %dma_start3A_17 = tpu.memref_slice %arg6[%dma_start3A, %dma_start3A_16] : memref<128x200xi32, #tpu.memory_space<vmem>> -> memref<1x128xi32, #tpu.memory_space<vmem>>
    %dma_start3A_18 = tpu.memref_squeeze %dma_start3A_17 : memref<1x128xi32, #tpu.memory_space<vmem>> -> memref<128xi32, #tpu.memory_space<vmem>>
    %dma_start3A_19 = arith.constant 0 : i32
    %dma_start3A_20 = arith.constant 0 : i32
    %dma_start3A_21 = tpu.memref_slice %arg3[%dma_start3A_19, %dma_start3A_20] : memref<100000x64xf32, #tpu.memory_space<hbm>> -> memref<100000x64xf32, #tpu.memory_space<hbm>>
    tpu.enqueue_indirect_dma source(%dma_start3A_21 : memref<100000x64xf32, #tpu.memory_space<hbm>>) target(%dma_start3A_15 : memref<128x64xf32, #tpu.memory_space<vmem>>) offsets(%dma_start3A_18 : memref<128xi32, #tpu.memory_space<vmem>>) semaphore(%arg10 : memref<!tpu.dma_semaphore, #tpu.memory_space<semaphore_mem>>)
    %dma_start3A_22 = arith.constant 0 : i32
    %dma_start3A_23 = arith.constant 0 : i32
    %dma_start3A_24 = arith.constant 128 : i32
    %dma_start3A_25 = arith.constant 0 : i32
    %dma_start3A_26 = tpu.memref_slice %arg7[%dma_start3A_23, %dma_start3A_24, %dma_start3A_25] : memref<4x200x64xf32, #tpu.memory_space<vmem>> -> memref<1x72x64xf32, #tpu.memory_space<vmem>>
    %dma_start3A_27 = tpu.memref_squeeze %dma_start3A_26 : memref<1x72x64xf32, #tpu.memory_space<vmem>> -> memref<72x64xf32, #tpu.memory_space<vmem>>
    %dma_start3A_28 = arith.constant 128 : i32
    %dma_start3A_29 = tpu.memref_slice %arg6[%dma_start3A_22, %dma_start3A_28] : memref<128x200xi32, #tpu.memory_space<vmem>> -> memref<1x72xi32, #tpu.memory_space<vmem>>
    %dma_start3A_30 = tpu.memref_squeeze %dma_start3A_29 : memref<1x72xi32, #tpu.memory_space<vmem>> -> memref<72xi32, #tpu.memory_space<vmem>>
    %dma_start3A_31 = arith.constant 0 : i32
    %dma_start3A_32 = arith.constant 0 : i32
    %dma_start3A_33 = tpu.memref_slice %arg3[%dma_start3A_31, %dma_start3A_32] : memref<100000x64xf32, #tpu.memory_space<hbm>> -> memref<100000x64xf32, #tpu.memory_space<hbm>>
    tpu.enqueue_indirect_dma source(%dma_start3A_33 : memref<100000x64xf32, #tpu.memory_space<hbm>>) target(%dma_start3A_27 : memref<72x64xf32, #tpu.memory_space<vmem>>) offsets(%dma_start3A_30 : memref<72xi32, #tpu.memory_space<vmem>>) semaphore(%arg10 : memref<!tpu.dma_semaphore, #tpu.memory_space<semaphore_mem>>)
    %dma_start3A_34 = arith.constant 1 : i32
    %dma_start3A_35 = arith.constant 1 : i32
    %dma_start3A_36 = arith.constant 0 : i32
    %dma_start3A_37 = arith.constant 0 : i32
    %dma_start3A_38 = tpu.memref_slice %arg7[%dma_start3A_35, %dma_start3A_36, %dma_start3A_37] : memref<4x200x64xf32, #tpu.memory_space<vmem>> -> memref<1x128x64xf32, #tpu.memory_space<vmem>>
    %dma_start3A_39 = tpu.memref_squeeze %dma_start3A_38 : memref<1x128x64xf32, #tpu.memory_space<vmem>> -> memref<128x64xf32, #tpu.memory_space<vmem>>
    %dma_start3A_40 = arith.constant 0 : i32
    %dma_start3A_41 = tpu.memref_slice %arg6[%dma_start3A_34, %dma_start3A_40] : memref<128x200xi32, #tpu.memory_space<vmem>> -> memref<1x128xi32, #tpu.memory_space<vmem>>
    %dma_start3A_42 = tpu.memref_squeeze %dma_start3A_41 : memref<1x128xi32, #tpu.memory_space<vmem>> -> memref<128xi32, #tpu.memory_space<vmem>>
    %dma_start3A_43 = arith.constant 0 : i32
    %dma_start3A_44 = arith.constant 0 : i32
    %dma_start3A_45 = tpu.memref_slice %arg3[%dma_start3A_43, %dma_start3A_44] : memref<100000x64xf32, #tpu.memory_space<hbm>> -> memref<100000x64xf32, #tpu.memory_space<hbm>>
    tpu.enqueue_indirect_dma source(%dma_start3A_45 : memref<100000x64xf32, #tpu.memory_space<hbm>>) target(%dma_start3A_39 : memref<128x64xf32, #tpu.memory_space<vmem>>) offsets(%dma_start3A_42 : memref<128xi32, #tpu.memory_space<vmem>>) semaphore(%arg10 : memref<!tpu.dma_semaphore, #tpu.memory_space<semaphore_mem>>)
    %dma_start3A_46 = arith.constant 1 : i32
    %dma_start3A_47 = arith.constant 1 : i32
    %dma_start3A_48 = arith.constant 128 : i32
    %dma_start3A_49 = arith.constant 0 : i32
    %dma_start3A_50 = tpu.memref_slice %arg7[%dma_start3A_47, %dma_start3A_48, %dma_start3A_49] : memref<4x200x64xf32, #tpu.memory_space<vmem>> -> memref<1x72x64xf32, #tpu.memory_space<vmem>>
    %dma_start3A_51 = tpu.memref_squeeze %dma_start3A_50 : memref<1x72x64xf32, #tpu.memory_space<vmem>> -> memref<72x64xf32, #tpu.memory_space<vmem>>
    %dma_start3A_52 = arith.constant 128 : i32
    %dma_start3A_53 = tpu.memref_slice %arg6[%dma_start3A_46, %dma_start3A_52] : memref<128x200xi32, #tpu.memory_space<vmem>> -> memref<1x72xi32, #tpu.memory_space<vmem>>
    %dma_start3A_54 = tpu.memref_squeeze %dma_start3A_53 : memref<1x72xi32, #tpu.memory_space<vmem>> -> memref<72xi32, #tpu.memory_space<vmem>>
    %dma_start3A_55 = arith.constant 0 : i32
    %dma_start3A_56 = arith.constant 0 : i32
    %dma_start3A_57 = tpu.memref_slice %arg3[%dma_start3A_55, %dma_start3A_56] : memref<100000x64xf32, #tpu.memory_space<hbm>> -> memref<100000x64xf32, #tpu.memory_space<hbm>>
    tpu.enqueue_indirect_dma source(%dma_start3A_57 : memref<100000x64xf32, #tpu.memory_space<hbm>>) target(%dma_start3A_51 : memref<72x64xf32, #tpu.memory_space<vmem>>) offsets(%dma_start3A_54 : memref<72xi32, #tpu.memory_space<vmem>>) semaphore(%arg10 : memref<!tpu.dma_semaphore, #tpu.memory_space<semaphore_mem>>)
    %dma_start3A_58 = arith.constant 2 : i32
    %dma_start3A_59 = arith.constant 2 : i32
    %dma_start3A_60 = arith.constant 0 : i32
    %dma_start3A_61 = arith.constant 0 : i32
    %dma_start3A_62 = tpu.memref_slice %arg7[%dma_start3A_59, %dma_start3A_60, %dma_start3A_61] : memref<4x200x64xf32, #tpu.memory_space<vmem>> -> memref<1x128x64xf32, #tpu.memory_space<vmem>>
    %dma_start3A_63 = tpu.memref_squeeze %dma_start3A_62 : memref<1x128x64xf32, #tpu.memory_space<vmem>> -> memref<128x64xf32, #tpu.memory_space<vmem>>
    %dma_start3A_64 = arith.constant 0 : i32
    %dma_start3A_65 = tpu.memref_slice %arg6[%dma_start3A_58, %dma_start3A_64] : memref<128x200xi32, #tpu.memory_space<vmem>> -> memref<1x128xi32, #tpu.memory_space<vmem>>
    %dma_start3A_66 = tpu.memref_squeeze %dma_start3A_65 : memref<1x128xi32, #tpu.memory_space<vmem>> -> memref<128xi32, #tpu.memory_space<vmem>>
    %dma_start3A_67 = arith.constant 0 : i32
    %dma_start3A_68 = arith.constant 0 : i32
    %dma_start3A_69 = tpu.memref_slice %arg3[%dma_start3A_67, %dma_start3A_68] : memref<100000x64xf32, #tpu.memory_space<hbm>> -> memref<100000x64xf32, #tpu.memory_space<hbm>>
    tpu.enqueue_indirect_dma source(%dma_start3A_69 : memref<100000x64xf32, #tpu.memory_space<hbm>>) target(%dma_start3A_63 : memref<128x64xf32, #tpu.memory_space<vmem>>) offsets(%dma_start3A_66 : memref<128xi32, #tpu.memory_space<vmem>>) semaphore(%arg10 : memref<!tpu.dma_semaphore, #tpu.memory_space<semaphore_mem>>)
    %dma_start3A_70 = arith.constant 2 : i32
    %dma_start3A_71 = arith.constant 2 : i32
    %dma_start3A_72 = arith.constant 128 : i32
    %dma_start3A_73 = arith.constant 0 : i32
    %dma_start3A_74 = tpu.memref_slice %arg7[%dma_start3A_71, %dma_start3A_72, %dma_start3A_73] : memref<4x200x64xf32, #tpu.memory_space<vmem>> -> memref<1x72x64xf32, #tpu.memory_space<vmem>>
    %dma_start3A_75 = tpu.memref_squeeze %dma_start3A_74 : memref<1x72x64xf32, #tpu.memory_space<vmem>> -> memref<72x64xf32, #tpu.memory_space<vmem>>
    %dma_start3A_76 = arith.constant 128 : i32
    %dma_start3A_77 = tpu.memref_slice %arg6[%dma_start3A_70, %dma_start3A_76] : memref<128x200xi32, #tpu.memory_space<vmem>> -> memref<1x72xi32, #tpu.memory_space<vmem>>
    %dma_start3A_78 = tpu.memref_squeeze %dma_start3A_77 : memref<1x72xi32, #tpu.memory_space<vmem>> -> memref<72xi32, #tpu.memory_space<vmem>>
    %dma_start3A_79 = arith.constant 0 : i32
    %dma_start3A_80 = arith.constant 0 : i32
    %dma_start3A_81 = tpu.memref_slice %arg3[%dma_start3A_79, %dma_start3A_80] : memref<100000x64xf32, #tpu.memory_space<hbm>> -> memref<100000x64xf32, #tpu.memory_space<hbm>>
    tpu.enqueue_indirect_dma source(%dma_start3A_81 : memref<100000x64xf32, #tpu.memory_space<hbm>>) target(%dma_start3A_75 : memref<72x64xf32, #tpu.memory_space<vmem>>) offsets(%dma_start3A_78 : memref<72xi32, #tpu.memory_space<vmem>>) semaphore(%arg10 : memref<!tpu.dma_semaphore, #tpu.memory_space<semaphore_mem>>)
    %dma_start3A_82 = arith.constant 3 : i32
    %dma_start3A_83 = arith.constant 3 : i32
    %dma_start3A_84 = arith.constant 0 : i32
    %dma_start3A_85 = arith.constant 0 : i32
    %dma_start3A_86 = tpu.memref_slice %arg7[%dma_start3A_83, %dma_start3A_84, %dma_start3A_85] : memref<4x200x64xf32, #tpu.memory_space<vmem>> -> memref<1x128x64xf32, #tpu.memory_space<vmem>>
    %dma_start3A_87 = tpu.memref_squeeze %dma_start3A_86 : memref<1x128x64xf32, #tpu.memory_space<vmem>> -> memref<128x64xf32, #tpu.memory_space<vmem>>
    %dma_start3A_88 = arith.constant 0 : i32
    %dma_start3A_89 = tpu.memref_slice %arg6[%dma_start3A_82, %dma_start3A_88] : memref<128x200xi32, #tpu.memory_space<vmem>> -> memref<1x128xi32, #tpu.memory_space<vmem>>
    %dma_start3A_90 = tpu.memref_squeeze %dma_start3A_89 : memref<1x128xi32, #tpu.memory_space<vmem>> -> memref<128xi32, #tpu.memory_space<vmem>>
    %dma_start3A_91 = arith.constant 0 : i32
    %dma_start3A_92 = arith.constant 0 : i32
    %dma_start3A_93 = tpu.memref_slice %arg3[%dma_start3A_91, %dma_start3A_92] : memref<100000x64xf32, #tpu.memory_space<hbm>> -> memref<100000x64xf32, #tpu.memory_space<hbm>>
    tpu.enqueue_indirect_dma source(%dma_start3A_93 : memref<100000x64xf32, #tpu.memory_space<hbm>>) target(%dma_start3A_87 : memref<128x64xf32, #tpu.memory_space<vmem>>) offsets(%dma_start3A_90 : memref<128xi32, #tpu.memory_space<vmem>>) semaphore(%arg10 : memref<!tpu.dma_semaphore, #tpu.memory_space<semaphore_mem>>)
    %dma_start3A_94 = arith.constant 3 : i32
    %dma_start3A_95 = arith.constant 3 : i32
    %dma_start3A_96 = arith.constant 128 : i32
    %dma_start3A_97 = arith.constant 0 : i32
    %dma_start3A_98 = tpu.memref_slice %arg7[%dma_start3A_95, %dma_start3A_96, %dma_start3A_97] : memref<4x200x64xf32, #tpu.memory_space<vmem>> -> memref<1x72x64xf32, #tpu.memory_space<vmem>>
    %dma_start3A_99 = tpu.memref_squeeze %dma_start3A_98 : memref<1x72x64xf32, #tpu.memory_space<vmem>> -> memref<72x64xf32, #tpu.memory_space<vmem>>
    %dma_start3A_100 = arith.constant 128 : i32
    %dma_start3A_101 = tpu.memref_slice %arg6[%dma_start3A_94, %dma_start3A_100] : memref<128x200xi32, #tpu.memory_space<vmem>> -> memref<1x72xi32, #tpu.memory_space<vmem>>
    %dma_start3A_102 = tpu.memref_squeeze %dma_start3A_101 : memref<1x72xi32, #tpu.memory_space<vmem>> -> memref<72xi32, #tpu.memory_space<vmem>>
    %dma_start3A_103 = arith.constant 0 : i32
    %dma_start3A_104 = arith.constant 0 : i32
    %dma_start3A_105 = tpu.memref_slice %arg3[%dma_start3A_103, %dma_start3A_104] : memref<100000x64xf32, #tpu.memory_space<hbm>> -> memref<100000x64xf32, #tpu.memory_space<hbm>>
    tpu.enqueue_indirect_dma source(%dma_start3A_105 : memref<100000x64xf32, #tpu.memory_space<hbm>>) target(%dma_start3A_99 : memref<72x64xf32, #tpu.memory_space<vmem>>) offsets(%dma_start3A_102 : memref<72xi32, #tpu.memory_space<vmem>>) semaphore(%arg10 : memref<!tpu.dma_semaphore, #tpu.memory_space<semaphore_mem>>)
    %scan3A_106 = arith.constant 0 : i32
    %scan3A_107 = arith.constant 0 : i32
    %scan3A_108 = arith.constant 128 : i32
    %scan3A_109 = arith.addi %scan3A_107, %scan3A_108 : i32
    %scan3A_110 = arith.constant 1 : i32
    scf.for %scan3A_112 = %scan3A_107 to %scan3A_109 step %scan3A_110  : i32 {
      %rem3A = arith.constant 4 : i32
      %rem3A_113 = arith.remsi %scan3A_112, %rem3A : i32
      %dma_wait3A = arith.constant 0 : i32
      %dma_wait3A_114 = arith.constant 0 : i32
      %dma_wait3A_115 = tpu.memref_slice %arg7[%rem3A_113, %dma_wait3A, %dma_wait3A_114] : memref<4x200x64xf32, #tpu.memory_space<vmem>> -> memref<1x128x64xf32, #tpu.memory_space<vmem>>
      %dma_wait3A_116 = tpu.memref_squeeze %dma_wait3A_115 : memref<1x128x64xf32, #tpu.memory_space<vmem>> -> memref<128x64xf32, #tpu.memory_space<vmem>>
      %dma_wait3A_117 = arith.constant 0 : i32
      %dma_wait3A_118 = tpu.memref_slice %arg6[%scan3A_112, %dma_wait3A_117] : memref<128x200xi32, #tpu.memory_space<vmem>> -> memref<1x128xi32, #tpu.memory_space<vmem>>
      %dma_wait3A_119 = tpu.memref_squeeze %dma_wait3A_118 : memref<1x128xi32, #tpu.memory_space<vmem>> -> memref<128xi32, #tpu.memory_space<vmem>>
      %dma_wait3A_120 = arith.constant 0 : i32
      %dma_wait3A_121 = arith.constant 0 : i32
      %dma_wait3A_122 = tpu.memref_slice %arg3[%dma_wait3A_120, %dma_wait3A_121] : memref<100000x64xf32, #tpu.memory_space<hbm>> -> memref<100000x64xf32, #tpu.memory_space<hbm>>
      tpu.wait_indirect_dma semaphore(%arg10 : memref<!tpu.dma_semaphore, #tpu.memory_space<semaphore_mem>>) src(%dma_wait3A_122 : memref<100000x64xf32, #tpu.memory_space<hbm>>) dst(%dma_wait3A_116 : memref<128x64xf32, #tpu.memory_space<vmem>>)
      %dma_wait3A_123 = arith.constant 128 : i32
      %dma_wait3A_124 = arith.constant 0 : i32
      %dma_wait3A_125 = tpu.memref_slice %arg7[%rem3A_113, %dma_wait3A_123, %dma_wait3A_124] : memref<4x200x64xf32, #tpu.memory_space<vmem>> -> memref<1x72x64xf32, #tpu.memory_space<vmem>>
      %dma_wait3A_126 = tpu.memref_squeeze %dma_wait3A_125 : memref<1x72x64xf32, #tpu.memory_space<vmem>> -> memref<72x64xf32, #tpu.memory_space<vmem>>
      %dma_wait3A_127 = arith.constant 128 : i32
      %dma_wait3A_128 = tpu.memref_slice %arg6[%scan3A_112, %dma_wait3A_127] : memref<128x200xi32, #tpu.memory_space<vmem>> -> memref<1x72xi32, #tpu.memory_space<vmem>>
      %dma_wait3A_129 = tpu.memref_squeeze %dma_wait3A_128 : memref<1x72xi32, #tpu.memory_space<vmem>> -> memref<72xi32, #tpu.memory_space<vmem>>
      %dma_wait3A_130 = arith.constant 0 : i32
      %dma_wait3A_131 = arith.constant 0 : i32
      %dma_wait3A_132 = tpu.memref_slice %arg3[%dma_wait3A_130, %dma_wait3A_131] : memref<100000x64xf32, #tpu.memory_space<hbm>> -> memref<100000x64xf32, #tpu.memory_space<hbm>>
      tpu.wait_indirect_dma semaphore(%arg10 : memref<!tpu.dma_semaphore, #tpu.memory_space<semaphore_mem>>) src(%dma_wait3A_132 : memref<100000x64xf32, #tpu.memory_space<hbm>>) dst(%dma_wait3A_126 : memref<72x64xf32, #tpu.memory_space<vmem>>)
      %scan3A_133 = arith.constant 0 : i32
      %scan3A_134 = arith.constant 25 : i32
      %scan3A_135 = arith.addi %scan3A_133, %scan3A_134 : i32
      %scan3A_136 = arith.constant 1 : i32
      %scan3A_137:4 = scf.for %scan3A_799 = %scan3A_133 to %scan3A_135 step %scan3A_136 iter_args(%scan3A_800 = %broadcast_in_dim3A_3, %scan3A_801 = %broadcast_in_dim3A_3, %scan3A_802 = %broadcast_in_dim3A_3, %scan3A_803 = %broadcast_in_dim3A_3) -> (vector<16xf32>, vector<16xf32>, vector<16xf32>, vector<16xf32>)  : i32 {
        %mul3A_804 = arith.constant 8 : i32
        %mul3A_805 = arith.muli %scan3A_799, %mul3A_804 : i32
        %add3A_806 = arith.constant 0 : i32
        %add3A_807 = arith.addi %mul3A_805, %add3A_806 : i32
        %get3A = arith.index_cast %rem3A_113 : i32 to index
        %get3A_808 = arith.index_cast %add3A_807 : i32 to index
        %get3A_809 = arith.constant 0 : index
        %get3A_810 = tpu.vector_load %arg7[%get3A, %get3A_808, %get3A_809] {strides = array<i32>} : memref<4x200x64xf32, #tpu.memory_space<vmem>>, vector<16xf32>,
        %add3A_811 = arith.addf %scan3A_800, %get3A_810 : vector<16xf32>
        %get3A_812 = arith.index_cast %rem3A_113 : i32 to index
        %get3A_813 = arith.index_cast %add3A_807 : i32 to index
        %get3A_814 = arith.constant 16 : index
        %get3A_815 = tpu.vector_load %arg7[%get3A_812, %get3A_813, %get3A_814] {strides = array<i32>} : memref<4x200x64xf32, #tpu.memory_space<vmem>>, vector<16xf32>,
        %add3A_816 = arith.addf %scan3A_801, %get3A_815 : vector<16xf32>
        %get3A_817 = arith.index_cast %rem3A_113 : i32 to index
        %get3A_818 = arith.index_cast %add3A_807 : i32 to index
        %get3A_819 = arith.constant 32 : index
        %get3A_820 = tpu.vector_load %arg7[%get3A_817, %get3A_818, %get3A_819] {strides = array<i32>} : memref<4x200x64xf32, #tpu.memory_space<vmem>>, vector<16xf32>,
        %add3A_821 = arith.addf %scan3A_802, %get3A_820 : vector<16xf32>
        %get3A_822 = arith.index_cast %rem3A_113 : i32 to index
        %get3A_823 = arith.index_cast %add3A_807 : i32 to index
        %get3A_824 = arith.constant 48 : index
        %get3A_825 = tpu.vector_load %arg7[%get3A_822, %get3A_823, %get3A_824] {strides = array<i32>} : memref<4x200x64xf32, #tpu.memory_space<vmem>>, vector<16xf32>,
        %add3A_826 = arith.addf %scan3A_803, %get3A_825 : vector<16xf32>
        %mul3A_827 = arith.constant 8 : i32
        %mul3A_828 = arith.muli %scan3A_799, %mul3A_827 : i32
        %add3A_829 = arith.constant 1 : i32
        %add3A_830 = arith.addi %mul3A_828, %add3A_829 : i32
        %get3A_831 = arith.index_cast %rem3A_113 : i32 to index
        %get3A_832 = arith.index_cast %add3A_830 : i32 to index
        %get3A_833 = arith.constant 0 : index
        %get3A_834 = tpu.vector_load %arg7[%get3A_831, %get3A_832, %get3A_833] {strides = array<i32>} : memref<4x200x64xf32, #tpu.memory_space<vmem>>, vector<16xf32>,
        %add3A_835 = arith.addf %add3A_811, %get3A_834 : vector<16xf32>
        %get3A_836 = arith.index_cast %rem3A_113 : i32 to index
        %get3A_837 = arith.index_cast %add3A_830 : i32 to index
        %get3A_838 = arith.constant 16 : index
        %get3A_839 = tpu.vector_load %arg7[%get3A_836, %get3A_837, %get3A_838] {strides = array<i32>} : memref<4x200x64xf32, #tpu.memory_space<vmem>>, vector<16xf32>,
        %add3A_840 = arith.addf %add3A_816, %get3A_839 : vector<16xf32>
        %get3A_841 = arith.index_cast %rem3A_113 : i32 to index
        %get3A_842 = arith.index_cast %add3A_830 : i32 to index
        %get3A_843 = arith.constant 32 : index
        %get3A_844 = tpu.vector_load %arg7[%get3A_841, %get3A_842, %get3A_843] {strides = array<i32>} : memref<4x200x64xf32, #tpu.memory_space<vmem>>, vector<16xf32>,
        %add3A_845 = arith.addf %add3A_821, %get3A_844 : vector<16xf32>
        %get3A_846 = arith.index_cast %rem3A_113 : i32 to index
        %get3A_847 = arith.index_cast %add3A_830 : i32 to index
        %get3A_848 = arith.constant 48 : index
        %get3A_849 = tpu.vector_load %arg7[%get3A_846, %get3A_847, %get3A_848] {strides = array<i32>} : memref<4x200x64xf32, #tpu.memory_space<vmem>>, vector<16xf32>,
        %add3A_850 = arith.addf %add3A_826, %get3A_849 : vector<16xf32>
        %mul3A_851 = arith.constant 8 : i32
        %mul3A_852 = arith.muli %scan3A_799, %mul3A_851 : i32
        %add3A_853 = arith.constant 2 : i32
        %add3A_854 = arith.addi %mul3A_852, %add3A_853 : i32
        %get3A_855 = arith.index_cast %rem3A_113 : i32 to index
        %get3A_856 = arith.index_cast %add3A_854 : i32 to index
        %get3A_857 = arith.constant 0 : index
        %get3A_858 = tpu.vector_load %arg7[%get3A_855, %get3A_856, %get3A_857] {strides = array<i32>} : memref<4x200x64xf32, #tpu.memory_space<vmem>>, vector<16xf32>,
        %add3A_859 = arith.addf %add3A_835, %get3A_858 : vector<16xf32>
        %get3A_860 = arith.index_cast %rem3A_113 : i32 to index
        %get3A_861 = arith.index_cast %add3A_854 : i32 to index
        %get3A_862 = arith.constant 16 : index
        %get3A_863 = tpu.vector_load %arg7[%get3A_860, %get3A_861, %get3A_862] {strides = array<i32>} : memref<4x200x64xf32, #tpu.memory_space<vmem>>, vector<16xf32>,
        %add3A_864 = arith.addf %add3A_840, %get3A_863 : vector<16xf32>
        %get3A_865 = arith.index_cast %rem3A_113 : i32 to index
        %get3A_866 = arith.index_cast %add3A_854 : i32 to index
        %get3A_867 = arith.constant 32 : index
        %get3A_868 = tpu.vector_load %arg7[%get3A_865, %get3A_866, %get3A_867] {strides = array<i32>} : memref<4x200x64xf32, #tpu.memory_space<vmem>>, vector<16xf32>,
        %add3A_869 = arith.addf %add3A_845, %get3A_868 : vector<16xf32>
        %get3A_870 = arith.index_cast %rem3A_113 : i32 to index
        %get3A_871 = arith.index_cast %add3A_854 : i32 to index
        %get3A_872 = arith.constant 48 : index
        %get3A_873 = tpu.vector_load %arg7[%get3A_870, %get3A_871, %get3A_872] {strides = array<i32>} : memref<4x200x64xf32, #tpu.memory_space<vmem>>, vector<16xf32>,
        %add3A_874 = arith.addf %add3A_850, %get3A_873 : vector<16xf32>
        %mul3A_875 = arith.constant 8 : i32
        %mul3A_876 = arith.muli %scan3A_799, %mul3A_875 : i32
        %add3A_877 = arith.constant 3 : i32
        %add3A_878 = arith.addi %mul3A_876, %add3A_877 : i32
        %get3A_879 = arith.index_cast %rem3A_113 : i32 to index
        %get3A_880 = arith.index_cast %add3A_878 : i32 to index
        %get3A_881 = arith.constant 0 : index
        %get3A_882 = tpu.vector_load %arg7[%get3A_879, %get3A_880, %get3A_881] {strides = array<i32>} : memref<4x200x64xf32, #tpu.memory_space<vmem>>, vector<16xf32>,
        %add3A_883 = arith.addf %add3A_859, %get3A_882 : vector<16xf32>
        %get3A_884 = arith.index_cast %rem3A_113 : i32 to index
        %get3A_885 = arith.index_cast %add3A_878 : i32 to index
        %get3A_886 = arith.constant 16 : index
        %get3A_887 = tpu.vector_load %arg7[%get3A_884, %get3A_885, %get3A_886] {strides = array<i32>} : memref<4x200x64xf32, #tpu.memory_space<vmem>>, vector<16xf32>,
        %add3A_888 = arith.addf %add3A_864, %get3A_887 : vector<16xf32>
        %get3A_889 = arith.index_cast %rem3A_113 : i32 to index
        %get3A_890 = arith.index_cast %add3A_878 : i32 to index
        %get3A_891 = arith.constant 32 : index
        %get3A_892 = tpu.vector_load %arg7[%get3A_889, %get3A_890, %get3A_891] {strides = array<i32>} : memref<4x200x64xf32, #tpu.memory_space<vmem>>, vector<16xf32>,
        %add3A_893 = arith.addf %add3A_869, %get3A_892 : vector<16xf32>
        %get3A_894 = arith.index_cast %rem3A_113 : i32 to index
        %get3A_895 = arith.index_cast %add3A_878 : i32 to index
        %get3A_896 = arith.constant 48 : index
        %get3A_897 = tpu.vector_load %arg7[%get3A_894, %get3A_895, %get3A_896] {strides = array<i32>} : memref<4x200x64xf32, #tpu.memory_space<vmem>>, vector<16xf32>,
        %add3A_898 = arith.addf %add3A_874, %get3A_897 : vector<16xf32>
        %mul3A_899 = arith.constant 8 : i32
        %mul3A_900 = arith.muli %scan3A_799, %mul3A_899 : i32
        %add3A_901 = arith.constant 4 : i32
        %add3A_902 = arith.addi %mul3A_900, %add3A_901 : i32
        %get3A_903 = arith.index_cast %rem3A_113 : i32 to index
        %get3A_904 = arith.index_cast %add3A_902 : i32 to index
        %get3A_905 = arith.constant 0 : index
        %get3A_906 = tpu.vector_load %arg7[%get3A_903, %get3A_904, %get3A_905] {strides = array<i32>} : memref<4x200x64xf32, #tpu.memory_space<vmem>>, vector<16xf32>,
        %add3A_907 = arith.addf %add3A_883, %get3A_906 : vector<16xf32>
        %get3A_908 = arith.index_cast %rem3A_113 : i32 to index
        %get3A_909 = arith.index_cast %add3A_902 : i32 to index
        %get3A_910 = arith.constant 16 : index
        %get3A_911 = tpu.vector_load %arg7[%get3A_908, %get3A_909, %get3A_910] {strides = array<i32>} : memref<4x200x64xf32, #tpu.memory_space<vmem>>, vector<16xf32>,
        %add3A_912 = arith.addf %add3A_888, %get3A_911 : vector<16xf32>
        %get3A_913 = arith.index_cast %rem3A_113 : i32 to index
        %get3A_914 = arith.index_cast %add3A_902 : i32 to index
        %get3A_915 = arith.constant 32 : index
        %get3A_916 = tpu.vector_load %arg7[%get3A_913, %get3A_914, %get3A_915] {strides = array<i32>} : memref<4x200x64xf32, #tpu.memory_space<vmem>>, vector<16xf32>,
        %add3A_917 = arith.addf %add3A_893, %get3A_916 : vector<16xf32>
        %get3A_918 = arith.index_cast %rem3A_113 : i32 to index
        %get3A_919 = arith.index_cast %add3A_902 : i32 to index
        %get3A_920 = arith.constant 48 : index
        %get3A_921 = tpu.vector_load %arg7[%get3A_918, %get3A_919, %get3A_920] {strides = array<i32>} : memref<4x200x64xf32, #tpu.memory_space<vmem>>, vector<16xf32>,
        %add3A_922 = arith.addf %add3A_898, %get3A_921 : vector<16xf32>
        %mul3A_923 = arith.constant 8 : i32
        %mul3A_924 = arith.muli %scan3A_799, %mul3A_923 : i32
        %add3A_925 = arith.constant 5 : i32
        %add3A_926 = arith.addi %mul3A_924, %add3A_925 : i32
        %get3A_927 = arith.index_cast %rem3A_113 : i32 to index
        %get3A_928 = arith.index_cast %add3A_926 : i32 to index
        %get3A_929 = arith.constant 0 : index
        %get3A_930 = tpu.vector_load %arg7[%get3A_927, %get3A_928, %get3A_929] {strides = array<i32>} : memref<4x200x64xf32, #tpu.memory_space<vmem>>, vector<16xf32>,
        %add3A_931 = arith.addf %add3A_907, %get3A_930 : vector<16xf32>
        %get3A_932 = arith.index_cast %rem3A_113 : i32 to index
        %get3A_933 = arith.index_cast %add3A_926 : i32 to index
        %get3A_934 = arith.constant 16 : index
        %get3A_935 = tpu.vector_load %arg7[%get3A_932, %get3A_933, %get3A_934] {strides = array<i32>} : memref<4x200x64xf32, #tpu.memory_space<vmem>>, vector<16xf32>,
        %add3A_936 = arith.addf %add3A_912, %get3A_935 : vector<16xf32>
        %get3A_937 = arith.index_cast %rem3A_113 : i32 to index
        %get3A_938 = arith.index_cast %add3A_926 : i32 to index
        %get3A_939 = arith.constant 32 : index
        %get3A_940 = tpu.vector_load %arg7[%get3A_937, %get3A_938, %get3A_939] {strides = array<i32>} : memref<4x200x64xf32, #tpu.memory_space<vmem>>, vector<16xf32>,
        %add3A_941 = arith.addf %add3A_917, %get3A_940 : vector<16xf32>
        %get3A_942 = arith.index_cast %rem3A_113 : i32 to index
        %get3A_943 = arith.index_cast %add3A_926 : i32 to index
        %get3A_944 = arith.constant 48 : index
        %get3A_945 = tpu.vector_load %arg7[%get3A_942, %get3A_943, %get3A_944] {strides = array<i32>} : memref<4x200x64xf32, #tpu.memory_space<vmem>>, vector<16xf32>,
        %add3A_946 = arith.addf %add3A_922, %get3A_945 : vector<16xf32>
        %mul3A_947 = arith.constant 8 : i32
        %mul3A_948 = arith.muli %scan3A_799, %mul3A_947 : i32
        %add3A_949 = arith.constant 6 : i32
        %add3A_950 = arith.addi %mul3A_948, %add3A_949 : i32
        %get3A_951 = arith.index_cast %rem3A_113 : i32 to index
        %get3A_952 = arith.index_cast %add3A_950 : i32 to index
        %get3A_953 = arith.constant 0 : index
        %get3A_954 = tpu.vector_load %arg7[%get3A_951, %get3A_952, %get3A_953] {strides = array<i32>} : memref<4x200x64xf32, #tpu.memory_space<vmem>>, vector<16xf32>,
        %add3A_955 = arith.addf %add3A_931, %get3A_954 : vector<16xf32>
        %get3A_956 = arith.index_cast %rem3A_113 : i32 to index
        %get3A_957 = arith.index_cast %add3A_950 : i32 to index
        %get3A_958 = arith.constant 16 : index
        %get3A_959 = tpu.vector_load %arg7[%get3A_956, %get3A_957, %get3A_958] {strides = array<i32>} : memref<4x200x64xf32, #tpu.memory_space<vmem>>, vector<16xf32>,
        %add3A_960 = arith.addf %add3A_936, %get3A_959 : vector<16xf32>
        %get3A_961 = arith.index_cast %rem3A_113 : i32 to index
        %get3A_962 = arith.index_cast %add3A_950 : i32 to index
        %get3A_963 = arith.constant 32 : index
        %get3A_964 = tpu.vector_load %arg7[%get3A_961, %get3A_962, %get3A_963] {strides = array<i32>} : memref<4x200x64xf32, #tpu.memory_space<vmem>>, vector<16xf32>,
        %add3A_965 = arith.addf %add3A_941, %get3A_964 : vector<16xf32>
        %get3A_966 = arith.index_cast %rem3A_113 : i32 to index
        %get3A_967 = arith.index_cast %add3A_950 : i32 to index
        %get3A_968 = arith.constant 48 : index
        %get3A_969 = tpu.vector_load %arg7[%get3A_966, %get3A_967, %get3A_968] {strides = array<i32>} : memref<4x200x64xf32, #tpu.memory_space<vmem>>, vector<16xf32>,
        %add3A_970 = arith.addf %add3A_946, %get3A_969 : vector<16xf32>
        %mul3A_971 = arith.constant 8 : i32
        %mul3A_972 = arith.muli %scan3A_799, %mul3A_971 : i32
        %add3A_973 = arith.constant 7 : i32
        %add3A_974 = arith.addi %mul3A_972, %add3A_973 : i32
        %get3A_975 = arith.index_cast %rem3A_113 : i32 to index
        %get3A_976 = arith.index_cast %add3A_974 : i32 to index
        %get3A_977 = arith.constant 0 : index
        %get3A_978 = tpu.vector_load %arg7[%get3A_975, %get3A_976, %get3A_977] {strides = array<i32>} : memref<4x200x64xf32, #tpu.memory_space<vmem>>, vector<16xf32>,
        %add3A_979 = arith.addf %add3A_955, %get3A_978 : vector<16xf32>
        %get3A_980 = arith.index_cast %rem3A_113 : i32 to index
        %get3A_981 = arith.index_cast %add3A_974 : i32 to index
        %get3A_982 = arith.constant 16 : index
        %get3A_983 = tpu.vector_load %arg7[%get3A_980, %get3A_981, %get3A_982] {strides = array<i32>} : memref<4x200x64xf32, #tpu.memory_space<vmem>>, vector<16xf32>,
        %add3A_984 = arith.addf %add3A_960, %get3A_983 : vector<16xf32>
        %get3A_985 = arith.index_cast %rem3A_113 : i32 to index
        %get3A_986 = arith.index_cast %add3A_974 : i32 to index
        %get3A_987 = arith.constant 32 : index
        %get3A_988 = tpu.vector_load %arg7[%get3A_985, %get3A_986, %get3A_987] {strides = array<i32>} : memref<4x200x64xf32, #tpu.memory_space<vmem>>, vector<16xf32>,
        %add3A_989 = arith.addf %add3A_965, %get3A_988 : vector<16xf32>
        %get3A_990 = arith.index_cast %rem3A_113 : i32 to index
        %get3A_991 = arith.index_cast %add3A_974 : i32 to index
        %get3A_992 = arith.constant 48 : index
        %get3A_993 = tpu.vector_load %arg7[%get3A_990, %get3A_991, %get3A_992] {strides = array<i32>} : memref<4x200x64xf32, #tpu.memory_space<vmem>>, vector<16xf32>,
        %add3A_994 = arith.addf %add3A_970, %get3A_993 : vector<16xf32>
        scf.yield %add3A_979, %add3A_984, %add3A_989, %add3A_994 : vector<16xf32>, vector<16xf32>, vector<16xf32>, vector<16xf32>
      }
      %scan3A_138 = arith.constant 25 : i32
      %swap3A = arith.index_cast %scan3A_112 : i32 to index
      %swap3A_139 = arith.constant 0 : index
      %swap3A_140 = tpu.vector_load %arg8[%swap3A, %swap3A_139] {strides = array<i32>} : memref<128x64xf32, #tpu.memory_space<vmem>>, vector<16xf32>,
      tpu.vector_store %arg8[%swap3A, %swap3A_139], %scan3A_137#0 {strides = array<i32>} : memref<128x64xf32, #tpu.memory_space<vmem>>, vector<16xf32>,
      %swap3A_141 = arith.index_cast %scan3A_112 : i32 to index
      %swap3A_142 = arith.constant 16 : index
      %swap3A_143 = tpu.vector_load %arg8[%swap3A_141, %swap3A_142] {strides = array<i32>} : memref<128x64xf32, #tpu.memory_space<vmem>>, vector<16xf32>,
      tpu.vector_store %arg8[%swap3A_141, %swap3A_142], %scan3A_137#1 {strides = array<i32>} : memref<128x64xf32, #tpu.memory_space<vmem>>, vector<16xf32>,
      %swap3A_144 = arith.index_cast %scan3A_112 : i32 to index
      %swap3A_145 = arith.constant 32 : index
      %swap3A_146 = tpu.vector_load %arg8[%swap3A_144, %swap3A_145] {strides = array<i32>} : memref<128x64xf32, #tpu.memory_space<vmem>>, vector<16xf32>,
      tpu.vector_store %arg8[%swap3A_144, %swap3A_145], %scan3A_137#2 {strides = array<i32>} : memref<128x64xf32, #tpu.memory_space<vmem>>, vector<16xf32>,
      %swap3A_147 = arith.index_cast %scan3A_112 : i32 to index
      %swap3A_148 = arith.constant 48 : index
      %swap3A_149 = tpu.vector_load %arg8[%swap3A_147, %swap3A_148] {strides = array<i32>} : memref<128x64xf32, #tpu.memory_space<vmem>>, vector<16xf32>,
      tpu.vector_store %arg8[%swap3A_147, %swap3A_148], %scan3A_137#3 {strides = array<i32>} : memref<128x64xf32, #tpu.memory_space<vmem>>, vector<16xf32>,
      %broadcast_in_dim3A_150 = vector.broadcast %scan3A_112 : i32 to vector<16xi32>
      %add3A_151 = arith.constant 0 : i32
      %add3A_152 = vector.broadcast %add3A_151 : i32 to vector<16xi32>
      %add3A_153 = arith.addi %iota3A, %add3A_152 : vector<16xi32>
      %min3A = arith.constant 199 : i32
      %min3A_154 = vector.broadcast %min3A : i32 to vector<16xi32>
      %min3A_155 = arith.minsi %add3A_153, %min3A_154 : vector<16xi32>
      %add3A_156 = arith.constant 1 : i32
      %add3A_157 = vector.broadcast %add3A_156 : i32 to vector<16xi32>
      %add3A_158 = arith.addi %add3A_153, %add3A_157 : vector<16xi32>
      %min3A_159 = arith.constant 199 : i32
      %min3A_160 = vector.broadcast %min3A_159 : i32 to vector<16xi32>
      %min3A_161 = arith.minsi %add3A_158, %min3A_160 : vector<16xi32>
      %gather3A = tpu.vector_load_idx %arg6[%broadcast_in_dim3A_150, %min3A_155] : memref<128x200xi32, #tpu.memory_space<vmem>>[vector<16xi32>, vector<16xi32>], vector<16xi32>,
      %gather3A_162 = tpu.vector_load_idx %arg6[%broadcast_in_dim3A_150, %min3A_161] : memref<128x200xi32, #tpu.memory_space<vmem>>[vector<16xi32>, vector<16xi32>], vector<16xi32>,
      %mul3A_163 = arith.constant 100 : i32
      %mul3A_164 = vector.broadcast %mul3A_163 : i32 to vector<16xi32>
      %mul3A_165 = arith.muli %mul3A_164, %gather3A_162 : vector<16xi32>
      %add3A_166 = arith.addi %gather3A, %mul3A_165 : vector<16xi32>
      %convert_element_type3A = arith.sitofp %add3A_166 : vector<16xi32> to vector<16xf32>
      %mul3A_167 = arith.constant 0.00502512557 : f32
      %mul3A_168 = vector.broadcast %mul3A_167 : f32 to vector<16xf32>
      %mul3A_169 = arith.mulf %convert_element_type3A, %mul3A_168 : vector<16xf32>
      %convert_element_type3A_170 = arith.fptosi %mul3A_169 : vector<16xf32> to vector<16xi32>
      %mul3A_171 = arith.constant 199 : i32
      %mul3A_172 = vector.broadcast %mul3A_171 : i32 to vector<16xi32>
      %mul3A_173 = arith.muli %convert_element_type3A_170, %mul3A_172 : vector<16xi32>
      %sub3A = arith.subi %add3A_166, %mul3A_173 : vector<16xi32>
      %lt3A = arith.constant 0 : i32
      %lt3A_174 = vector.broadcast %lt3A : i32 to vector<16xi32>
      %lt3A_175 = arith.cmpi slt, %sub3A, %lt3A_174 : vector<16xi32>
      %add3A_176 = arith.constant 199 : i32
      %add3A_177 = vector.broadcast %add3A_176 : i32 to vector<16xi32>
      %add3A_178 = arith.addi %sub3A, %add3A_177 : vector<16xi32>
      %select_n3A = arith.select %lt3A_175, %add3A_178, %sub3A : vector<16xi1>, vector<16xi32>
      %ge3A = arith.constant 199 : i32
      %ge3A_179 = vector.broadcast %ge3A : i32 to vector<16xi32>
      %ge3A_180 = arith.cmpi sge, %select_n3A, %ge3A_179 : vector<16xi32>
      %sub3A_181 = arith.constant 199 : i32
      %sub3A_182 = vector.broadcast %sub3A_181 : i32 to vector<16xi32>
      %sub3A_183 = arith.subi %select_n3A, %sub3A_182 : vector<16xi32>
      %select_n3A_184 = arith.select %ge3A_180, %sub3A_183, %select_n3A : vector<16xi1>, vector<16xi32>
      %add3A_185 = arith.constant 1 : i32
      %add3A_186 = vector.broadcast %add3A_185 : i32 to vector<16xi32>
      %add3A_187 = arith.addi %select_n3A_184, %add3A_186 : vector<16xi32>
      %lt3A_188 = arith.constant 199 : i32
      %lt3A_189 = vector.broadcast %lt3A_188 : i32 to vector<16xi32>
      %lt3A_190 = arith.cmpi slt, %add3A_153, %lt3A_189 : vector<16xi32>
      %jit3A = arith.constant 0 : i32
      %broadcast_in_dim3A_191 = vector.broadcast %jit3A : i32 to vector<16xi32>
      %select_n3A_192 = arith.select %lt3A_190, %add3A_187, %broadcast_in_dim3A_191 : vector<16xi1>, vector<16xi32>
      tpu.vector_store_idx %arg9[%broadcast_in_dim3A_150, %select_n3A_192], %broadcast_in_dim3A_5 {add = true} : memref<128x208xf32, #tpu.memory_space<vmem>>[vector<16xi32>, vector<16xi32>], vector<16xf32>,
      %add3A_193 = arith.constant 16 : i32
      %add3A_194 = vector.broadcast %add3A_193 : i32 to vector<16xi32>
      %add3A_195 = arith.addi %iota3A, %add3A_194 : vector<16xi32>
      %min3A_196 = arith.constant 199 : i32
      %min3A_197 = vector.broadcast %min3A_196 : i32 to vector<16xi32>
      %min3A_198 = arith.minsi %add3A_195, %min3A_197 : vector<16xi32>
      %add3A_199 = arith.constant 1 : i32
      %add3A_200 = vector.broadcast %add3A_199 : i32 to vector<16xi32>
      %add3A_201 = arith.addi %add3A_195, %add3A_200 : vector<16xi32>
      %min3A_202 = arith.constant 199 : i32
      %min3A_203 = vector.broadcast %min3A_202 : i32 to vector<16xi32>
      %min3A_204 = arith.minsi %add3A_201, %min3A_203 : vector<16xi32>
      %gather3A_205 = tpu.vector_load_idx %arg6[%broadcast_in_dim3A_150, %min3A_198] : memref<128x200xi32, #tpu.memory_space<vmem>>[vector<16xi32>, vector<16xi32>], vector<16xi32>,
      %gather3A_206 = tpu.vector_load_idx %arg6[%broadcast_in_dim3A_150, %min3A_204] : memref<128x200xi32, #tpu.memory_space<vmem>>[vector<16xi32>, vector<16xi32>], vector<16xi32>,
      %mul3A_207 = arith.constant 100 : i32
      %mul3A_208 = vector.broadcast %mul3A_207 : i32 to vector<16xi32>
      %mul3A_209 = arith.muli %mul3A_208, %gather3A_206 : vector<16xi32>
      %add3A_210 = arith.addi %gather3A_205, %mul3A_209 : vector<16xi32>
      %convert_element_type3A_211 = arith.sitofp %add3A_210 : vector<16xi32> to vector<16xf32>
      %mul3A_212 = arith.constant 0.00502512557 : f32
      %mul3A_213 = vector.broadcast %mul3A_212 : f32 to vector<16xf32>
      %mul3A_214 = arith.mulf %convert_element_type3A_211, %mul3A_213 : vector<16xf32>
      %convert_element_type3A_215 = arith.fptosi %mul3A_214 : vector<16xf32> to vector<16xi32>
      %mul3A_216 = arith.constant 199 : i32
      %mul3A_217 = vector.broadcast %mul3A_216 : i32 to vector<16xi32>
      %mul3A_218 = arith.muli %convert_element_type3A_215, %mul3A_217 : vector<16xi32>
      %sub3A_219 = arith.subi %add3A_210, %mul3A_218 : vector<16xi32>
      %lt3A_220 = arith.constant 0 : i32
      %lt3A_221 = vector.broadcast %lt3A_220 : i32 to vector<16xi32>
      %lt3A_222 = arith.cmpi slt, %sub3A_219, %lt3A_221 : vector<16xi32>
      %add3A_223 = arith.constant 199 : i32
      %add3A_224 = vector.broadcast %add3A_223 : i32 to vector<16xi32>
      %add3A_225 = arith.addi %sub3A_219, %add3A_224 : vector<16xi32>
      %select_n3A_226 = arith.select %lt3A_222, %add3A_225, %sub3A_219 : vector<16xi1>, vector<16xi32>
      %ge3A_227 = arith.constant 199 : i32
      %ge3A_228 = vector.broadcast %ge3A_227 : i32 to vector<16xi32>
      %ge3A_229 = arith.cmpi sge, %select_n3A_226, %ge3A_228 : vector<16xi32>
      %sub3A_230 = arith.constant 199 : i32
      %sub3A_231 = vector.broadcast %sub3A_230 : i32 to vector<16xi32>
      %sub3A_232 = arith.subi %select_n3A_226, %sub3A_231 : vector<16xi32>
      %select_n3A_233 = arith.select %ge3A_229, %sub3A_232, %select_n3A_226 : vector<16xi1>, vector<16xi32>
      %add3A_234 = arith.constant 1 : i32
      %add3A_235 = vector.broadcast %add3A_234 : i32 to vector<16xi32>
      %add3A_236 = arith.addi %select_n3A_233, %add3A_235 : vector<16xi32>
      %lt3A_237 = arith.constant 199 : i32
      %lt3A_238 = vector.broadcast %lt3A_237 : i32 to vector<16xi32>
      %lt3A_239 = arith.cmpi slt, %add3A_195, %lt3A_238 : vector<16xi32>
      %jit3A_240 = arith.constant 0 : i32
      %broadcast_in_dim3A_241 = vector.broadcast %jit3A_240 : i32 to vector<16xi32>
      %select_n3A_242 = arith.select %lt3A_239, %add3A_236, %broadcast_in_dim3A_241 : vector<16xi1>, vector<16xi32>
      tpu.vector_store_idx %arg9[%broadcast_in_dim3A_150, %select_n3A_242], %broadcast_in_dim3A_5 {add = true} : memref<128x208xf32, #tpu.memory_space<vmem>>[vector<16xi32>, vector<16xi32>], vector<16xf32>,
      %add3A_243 = arith.constant 32 : i32
      %add3A_244 = vector.broadcast %add3A_243 : i32 to vector<16xi32>
      %add3A_245 = arith.addi %iota3A, %add3A_244 : vector<16xi32>
      %min3A_246 = arith.constant 199 : i32
      %min3A_247 = vector.broadcast %min3A_246 : i32 to vector<16xi32>
      %min3A_248 = arith.minsi %add3A_245, %min3A_247 : vector<16xi32>
      %add3A_249 = arith.constant 1 : i32
      %add3A_250 = vector.broadcast %add3A_249 : i32 to vector<16xi32>
      %add3A_251 = arith.addi %add3A_245, %add3A_250 : vector<16xi32>
      %min3A_252 = arith.constant 199 : i32
      %min3A_253 = vector.broadcast %min3A_252 : i32 to vector<16xi32>
      %min3A_254 = arith.minsi %add3A_251, %min3A_253 : vector<16xi32>
      %gather3A_255 = tpu.vector_load_idx %arg6[%broadcast_in_dim3A_150, %min3A_248] : memref<128x200xi32, #tpu.memory_space<vmem>>[vector<16xi32>, vector<16xi32>], vector<16xi32>,
      %gather3A_256 = tpu.vector_load_idx %arg6[%broadcast_in_dim3A_150, %min3A_254] : memref<128x200xi32, #tpu.memory_space<vmem>>[vector<16xi32>, vector<16xi32>], vector<16xi32>,
      %mul3A_257 = arith.constant 100 : i32
      %mul3A_258 = vector.broadcast %mul3A_257 : i32 to vector<16xi32>
      %mul3A_259 = arith.muli %mul3A_258, %gather3A_256 : vector<16xi32>
      %add3A_260 = arith.addi %gather3A_255, %mul3A_259 : vector<16xi32>
      %convert_element_type3A_261 = arith.sitofp %add3A_260 : vector<16xi32> to vector<16xf32>
      %mul3A_262 = arith.constant 0.00502512557 : f32
      %mul3A_263 = vector.broadcast %mul3A_262 : f32 to vector<16xf32>
      %mul3A_264 = arith.mulf %convert_element_type3A_261, %mul3A_263 : vector<16xf32>
      %convert_element_type3A_265 = arith.fptosi %mul3A_264 : vector<16xf32> to vector<16xi32>
      %mul3A_266 = arith.constant 199 : i32
      %mul3A_267 = vector.broadcast %mul3A_266 : i32 to vector<16xi32>
      %mul3A_268 = arith.muli %convert_element_type3A_265, %mul3A_267 : vector<16xi32>
      %sub3A_269 = arith.subi %add3A_260, %mul3A_268 : vector<16xi32>
      %lt3A_270 = arith.constant 0 : i32
      %lt3A_271 = vector.broadcast %lt3A_270 : i32 to vector<16xi32>
      %lt3A_272 = arith.cmpi slt, %sub3A_269, %lt3A_271 : vector<16xi32>
      %add3A_273 = arith.constant 199 : i32
      %add3A_274 = vector.broadcast %add3A_273 : i32 to vector<16xi32>
      %add3A_275 = arith.addi %sub3A_269, %add3A_274 : vector<16xi32>
      %select_n3A_276 = arith.select %lt3A_272, %add3A_275, %sub3A_269 : vector<16xi1>, vector<16xi32>
      %ge3A_277 = arith.constant 199 : i32
      %ge3A_278 = vector.broadcast %ge3A_277 : i32 to vector<16xi32>
      %ge3A_279 = arith.cmpi sge, %select_n3A_276, %ge3A_278 : vector<16xi32>
      %sub3A_280 = arith.constant 199 : i32
      %sub3A_281 = vector.broadcast %sub3A_280 : i32 to vector<16xi32>
      %sub3A_282 = arith.subi %select_n3A_276, %sub3A_281 : vector<16xi32>
      %select_n3A_283 = arith.select %ge3A_279, %sub3A_282, %select_n3A_276 : vector<16xi1>, vector<16xi32>
      %add3A_284 = arith.constant 1 : i32
      %add3A_285 = vector.broadcast %add3A_284 : i32 to vector<16xi32>
      %add3A_286 = arith.addi %select_n3A_283, %add3A_285 : vector<16xi32>
      %lt3A_287 = arith.constant 199 : i32
      %lt3A_288 = vector.broadcast %lt3A_287 : i32 to vector<16xi32>
      %lt3A_289 = arith.cmpi slt, %add3A_245, %lt3A_288 : vector<16xi32>
      %jit3A_290 = arith.constant 0 : i32
      %broadcast_in_dim3A_291 = vector.broadcast %jit3A_290 : i32 to vector<16xi32>
      %select_n3A_292 = arith.select %lt3A_289, %add3A_286, %broadcast_in_dim3A_291 : vector<16xi1>, vector<16xi32>
      tpu.vector_store_idx %arg9[%broadcast_in_dim3A_150, %select_n3A_292], %broadcast_in_dim3A_5 {add = true} : memref<128x208xf32, #tpu.memory_space<vmem>>[vector<16xi32>, vector<16xi32>], vector<16xf32>,
      %add3A_293 = arith.constant 48 : i32
      %add3A_294 = vector.broadcast %add3A_293 : i32 to vector<16xi32>
      %add3A_295 = arith.addi %iota3A, %add3A_294 : vector<16xi32>
      %min3A_296 = arith.constant 199 : i32
      %min3A_297 = vector.broadcast %min3A_296 : i32 to vector<16xi32>
      %min3A_298 = arith.minsi %add3A_295, %min3A_297 : vector<16xi32>
      %add3A_299 = arith.constant 1 : i32
      %add3A_300 = vector.broadcast %add3A_299 : i32 to vector<16xi32>
      %add3A_301 = arith.addi %add3A_295, %add3A_300 : vector<16xi32>
      %min3A_302 = arith.constant 199 : i32
      %min3A_303 = vector.broadcast %min3A_302 : i32 to vector<16xi32>
      %min3A_304 = arith.minsi %add3A_301, %min3A_303 : vector<16xi32>
      %gather3A_305 = tpu.vector_load_idx %arg6[%broadcast_in_dim3A_150, %min3A_298] : memref<128x200xi32, #tpu.memory_space<vmem>>[vector<16xi32>, vector<16xi32>], vector<16xi32>,
      %gather3A_306 = tpu.vector_load_idx %arg6[%broadcast_in_dim3A_150, %min3A_304] : memref<128x200xi32, #tpu.memory_space<vmem>>[vector<16xi32>, vector<16xi32>], vector<16xi32>,
      %mul3A_307 = arith.constant 100 : i32
      %mul3A_308 = vector.broadcast %mul3A_307 : i32 to vector<16xi32>
      %mul3A_309 = arith.muli %mul3A_308, %gather3A_306 : vector<16xi32>
      %add3A_310 = arith.addi %gather3A_305, %mul3A_309 : vector<16xi32>
      %convert_element_type3A_311 = arith.sitofp %add3A_310 : vector<16xi32> to vector<16xf32>
      %mul3A_312 = arith.constant 0.00502512557 : f32
      %mul3A_313 = vector.broadcast %mul3A_312 : f32 to vector<16xf32>
      %mul3A_314 = arith.mulf %convert_element_type3A_311, %mul3A_313 : vector<16xf32>
      %convert_element_type3A_315 = arith.fptosi %mul3A_314 : vector<16xf32> to vector<16xi32>
      %mul3A_316 = arith.constant 199 : i32
      %mul3A_317 = vector.broadcast %mul3A_316 : i32 to vector<16xi32>
      %mul3A_318 = arith.muli %convert_element_type3A_315, %mul3A_317 : vector<16xi32>
      %sub3A_319 = arith.subi %add3A_310, %mul3A_318 : vector<16xi32>
      %lt3A_320 = arith.constant 0 : i32
      %lt3A_321 = vector.broadcast %lt3A_320 : i32 to vector<16xi32>
      %lt3A_322 = arith.cmpi slt, %sub3A_319, %lt3A_321 : vector<16xi32>
      %add3A_323 = arith.constant 199 : i32
      %add3A_324 = vector.broadcast %add3A_323 : i32 to vector<16xi32>
      %add3A_325 = arith.addi %sub3A_319, %add3A_324 : vector<16xi32>
      %select_n3A_326 = arith.select %lt3A_322, %add3A_325, %sub3A_319 : vector<16xi1>, vector<16xi32>
      %ge3A_327 = arith.constant 199 : i32
      %ge3A_328 = vector.broadcast %ge3A_327 : i32 to vector<16xi32>
      %ge3A_329 = arith.cmpi sge, %select_n3A_326, %ge3A_328 : vector<16xi32>
      %sub3A_330 = arith.constant 199 : i32
      %sub3A_331 = vector.broadcast %sub3A_330 : i32 to vector<16xi32>
      %sub3A_332 = arith.subi %select_n3A_326, %sub3A_331 : vector<16xi32>
      %select_n3A_333 = arith.select %ge3A_329, %sub3A_332, %select_n3A_326 : vector<16xi1>, vector<16xi32>
      %add3A_334 = arith.constant 1 : i32
      %add3A_335 = vector.broadcast %add3A_334 : i32 to vector<16xi32>
      %add3A_336 = arith.addi %select_n3A_333, %add3A_335 : vector<16xi32>
      %lt3A_337 = arith.constant 199 : i32
      %lt3A_338 = vector.broadcast %lt3A_337 : i32 to vector<16xi32>
      %lt3A_339 = arith.cmpi slt, %add3A_295, %lt3A_338 : vector<16xi32>
      %jit3A_340 = arith.constant 0 : i32
      %broadcast_in_dim3A_341 = vector.broadcast %jit3A_340 : i32 to vector<16xi32>
      %select_n3A_342 = arith.select %lt3A_339, %add3A_336, %broadcast_in_dim3A_341 : vector<16xi1>, vector<16xi32>
      tpu.vector_store_idx %arg9[%broadcast_in_dim3A_150, %select_n3A_342], %broadcast_in_dim3A_5 {add = true} : memref<128x208xf32, #tpu.memory_space<vmem>>[vector<16xi32>, vector<16xi32>], vector<16xf32>,
      %add3A_343 = arith.constant 64 : i32
      %add3A_344 = vector.broadcast %add3A_343 : i32 to vector<16xi32>
      %add3A_345 = arith.addi %iota3A, %add3A_344 : vector<16xi32>
      %min3A_346 = arith.constant 199 : i32
      %min3A_347 = vector.broadcast %min3A_346 : i32 to vector<16xi32>
      %min3A_348 = arith.minsi %add3A_345, %min3A_347 : vector<16xi32>
      %add3A_349 = arith.constant 1 : i32
      %add3A_350 = vector.broadcast %add3A_349 : i32 to vector<16xi32>
      %add3A_351 = arith.addi %add3A_345, %add3A_350 : vector<16xi32>
      %min3A_352 = arith.constant 199 : i32
      %min3A_353 = vector.broadcast %min3A_352 : i32 to vector<16xi32>
      %min3A_354 = arith.minsi %add3A_351, %min3A_353 : vector<16xi32>
      %gather3A_355 = tpu.vector_load_idx %arg6[%broadcast_in_dim3A_150, %min3A_348] : memref<128x200xi32, #tpu.memory_space<vmem>>[vector<16xi32>, vector<16xi32>], vector<16xi32>,
      %gather3A_356 = tpu.vector_load_idx %arg6[%broadcast_in_dim3A_150, %min3A_354] : memref<128x200xi32, #tpu.memory_space<vmem>>[vector<16xi32>, vector<16xi32>], vector<16xi32>,
      %mul3A_357 = arith.constant 100 : i32
      %mul3A_358 = vector.broadcast %mul3A_357 : i32 to vector<16xi32>
      %mul3A_359 = arith.muli %mul3A_358, %gather3A_356 : vector<16xi32>
      %add3A_360 = arith.addi %gather3A_355, %mul3A_359 : vector<16xi32>
      %convert_element_type3A_361 = arith.sitofp %add3A_360 : vector<16xi32> to vector<16xf32>
      %mul3A_362 = arith.constant 0.00502512557 : f32
      %mul3A_363 = vector.broadcast %mul3A_362 : f32 to vector<16xf32>
      %mul3A_364 = arith.mulf %convert_element_type3A_361, %mul3A_363 : vector<16xf32>
      %convert_element_type3A_365 = arith.fptosi %mul3A_364 : vector<16xf32> to vector<16xi32>
      %mul3A_366 = arith.constant 199 : i32
      %mul3A_367 = vector.broadcast %mul3A_366 : i32 to vector<16xi32>
      %mul3A_368 = arith.muli %convert_element_type3A_365, %mul3A_367 : vector<16xi32>
      %sub3A_369 = arith.subi %add3A_360, %mul3A_368 : vector<16xi32>
      %lt3A_370 = arith.constant 0 : i32
      %lt3A_371 = vector.broadcast %lt3A_370 : i32 to vector<16xi32>
      %lt3A_372 = arith.cmpi slt, %sub3A_369, %lt3A_371 : vector<16xi32>
      %add3A_373 = arith.constant 199 : i32
      %add3A_374 = vector.broadcast %add3A_373 : i32 to vector<16xi32>
      %add3A_375 = arith.addi %sub3A_369, %add3A_374 : vector<16xi32>
      %select_n3A_376 = arith.select %lt3A_372, %add3A_375, %sub3A_369 : vector<16xi1>, vector<16xi32>
      %ge3A_377 = arith.constant 199 : i32
      %ge3A_378 = vector.broadcast %ge3A_377 : i32 to vector<16xi32>
      %ge3A_379 = arith.cmpi sge, %select_n3A_376, %ge3A_378 : vector<16xi32>
      %sub3A_380 = arith.constant 199 : i32
      %sub3A_381 = vector.broadcast %sub3A_380 : i32 to vector<16xi32>
      %sub3A_382 = arith.subi %select_n3A_376, %sub3A_381 : vector<16xi32>
      %select_n3A_383 = arith.select %ge3A_379, %sub3A_382, %select_n3A_376 : vector<16xi1>, vector<16xi32>
      %add3A_384 = arith.constant 1 : i32
      %add3A_385 = vector.broadcast %add3A_384 : i32 to vector<16xi32>
      %add3A_386 = arith.addi %select_n3A_383, %add3A_385 : vector<16xi32>
      %lt3A_387 = arith.constant 199 : i32
      %lt3A_388 = vector.broadcast %lt3A_387 : i32 to vector<16xi32>
      %lt3A_389 = arith.cmpi slt, %add3A_345, %lt3A_388 : vector<16xi32>
      %jit3A_390 = arith.constant 0 : i32
      %broadcast_in_dim3A_391 = vector.broadcast %jit3A_390 : i32 to vector<16xi32>
      %select_n3A_392 = arith.select %lt3A_389, %add3A_386, %broadcast_in_dim3A_391 : vector<16xi1>, vector<16xi32>
      tpu.vector_store_idx %arg9[%broadcast_in_dim3A_150, %select_n3A_392], %broadcast_in_dim3A_5 {add = true} : memref<128x208xf32, #tpu.memory_space<vmem>>[vector<16xi32>, vector<16xi32>], vector<16xf32>,
      %add3A_393 = arith.constant 80 : i32
      %add3A_394 = vector.broadcast %add3A_393 : i32 to vector<16xi32>
      %add3A_395 = arith.addi %iota3A, %add3A_394 : vector<16xi32>
      %min3A_396 = arith.constant 199 : i32
      %min3A_397 = vector.broadcast %min3A_396 : i32 to vector<16xi32>
      %min3A_398 = arith.minsi %add3A_395, %min3A_397 : vector<16xi32>
      %add3A_399 = arith.constant 1 : i32
      %add3A_400 = vector.broadcast %add3A_399 : i32 to vector<16xi32>
      %add3A_401 = arith.addi %add3A_395, %add3A_400 : vector<16xi32>
      %min3A_402 = arith.constant 199 : i32
      %min3A_403 = vector.broadcast %min3A_402 : i32 to vector<16xi32>
      %min3A_404 = arith.minsi %add3A_401, %min3A_403 : vector<16xi32>
      %gather3A_405 = tpu.vector_load_idx %arg6[%broadcast_in_dim3A_150, %min3A_398] : memref<128x200xi32, #tpu.memory_space<vmem>>[vector<16xi32>, vector<16xi32>], vector<16xi32>,
      %gather3A_406 = tpu.vector_load_idx %arg6[%broadcast_in_dim3A_150, %min3A_404] : memref<128x200xi32, #tpu.memory_space<vmem>>[vector<16xi32>, vector<16xi32>], vector<16xi32>,
      %mul3A_407 = arith.constant 100 : i32
      %mul3A_408 = vector.broadcast %mul3A_407 : i32 to vector<16xi32>
      %mul3A_409 = arith.muli %mul3A_408, %gather3A_406 : vector<16xi32>
      %add3A_410 = arith.addi %gather3A_405, %mul3A_409 : vector<16xi32>
      %convert_element_type3A_411 = arith.sitofp %add3A_410 : vector<16xi32> to vector<16xf32>
      %mul3A_412 = arith.constant 0.00502512557 : f32
      %mul3A_413 = vector.broadcast %mul3A_412 : f32 to vector<16xf32>
      %mul3A_414 = arith.mulf %convert_element_type3A_411, %mul3A_413 : vector<16xf32>
      %convert_element_type3A_415 = arith.fptosi %mul3A_414 : vector<16xf32> to vector<16xi32>
      %mul3A_416 = arith.constant 199 : i32
      %mul3A_417 = vector.broadcast %mul3A_416 : i32 to vector<16xi32>
      %mul3A_418 = arith.muli %convert_element_type3A_415, %mul3A_417 : vector<16xi32>
      %sub3A_419 = arith.subi %add3A_410, %mul3A_418 : vector<16xi32>
      %lt3A_420 = arith.constant 0 : i32
      %lt3A_421 = vector.broadcast %lt3A_420 : i32 to vector<16xi32>
      %lt3A_422 = arith.cmpi slt, %sub3A_419, %lt3A_421 : vector<16xi32>
      %add3A_423 = arith.constant 199 : i32
      %add3A_424 = vector.broadcast %add3A_423 : i32 to vector<16xi32>
      %add3A_425 = arith.addi %sub3A_419, %add3A_424 : vector<16xi32>
      %select_n3A_426 = arith.select %lt3A_422, %add3A_425, %sub3A_419 : vector<16xi1>, vector<16xi32>
      %ge3A_427 = arith.constant 199 : i32
      %ge3A_428 = vector.broadcast %ge3A_427 : i32 to vector<16xi32>
      %ge3A_429 = arith.cmpi sge, %select_n3A_426, %ge3A_428 : vector<16xi32>
      %sub3A_430 = arith.constant 199 : i32
      %sub3A_431 = vector.broadcast %sub3A_430 : i32 to vector<16xi32>
      %sub3A_432 = arith.subi %select_n3A_426, %sub3A_431 : vector<16xi32>
      %select_n3A_433 = arith.select %ge3A_429, %sub3A_432, %select_n3A_426 : vector<16xi1>, vector<16xi32>
      %add3A_434 = arith.constant 1 : i32
      %add3A_435 = vector.broadcast %add3A_434 : i32 to vector<16xi32>
      %add3A_436 = arith.addi %select_n3A_433, %add3A_435 : vector<16xi32>
      %lt3A_437 = arith.constant 199 : i32
      %lt3A_438 = vector.broadcast %lt3A_437 : i32 to vector<16xi32>
      %lt3A_439 = arith.cmpi slt, %add3A_395, %lt3A_438 : vector<16xi32>
      %jit3A_440 = arith.constant 0 : i32
      %broadcast_in_dim3A_441 = vector.broadcast %jit3A_440 : i32 to vector<16xi32>
      %select_n3A_442 = arith.select %lt3A_439, %add3A_436, %broadcast_in_dim3A_441 : vector<16xi1>, vector<16xi32>
      tpu.vector_store_idx %arg9[%broadcast_in_dim3A_150, %select_n3A_442], %broadcast_in_dim3A_5 {add = true} : memref<128x208xf32, #tpu.memory_space<vmem>>[vector<16xi32>, vector<16xi32>], vector<16xf32>,
      %add3A_443 = arith.constant 96 : i32
      %add3A_444 = vector.broadcast %add3A_443 : i32 to vector<16xi32>
      %add3A_445 = arith.addi %iota3A, %add3A_444 : vector<16xi32>
      %min3A_446 = arith.constant 199 : i32
      %min3A_447 = vector.broadcast %min3A_446 : i32 to vector<16xi32>
      %min3A_448 = arith.minsi %add3A_445, %min3A_447 : vector<16xi32>
      %add3A_449 = arith.constant 1 : i32
      %add3A_450 = vector.broadcast %add3A_449 : i32 to vector<16xi32>
      %add3A_451 = arith.addi %add3A_445, %add3A_450 : vector<16xi32>
      %min3A_452 = arith.constant 199 : i32
      %min3A_453 = vector.broadcast %min3A_452 : i32 to vector<16xi32>
      %min3A_454 = arith.minsi %add3A_451, %min3A_453 : vector<16xi32>
      %gather3A_455 = tpu.vector_load_idx %arg6[%broadcast_in_dim3A_150, %min3A_448] : memref<128x200xi32, #tpu.memory_space<vmem>>[vector<16xi32>, vector<16xi32>], vector<16xi32>,
      %gather3A_456 = tpu.vector_load_idx %arg6[%broadcast_in_dim3A_150, %min3A_454] : memref<128x200xi32, #tpu.memory_space<vmem>>[vector<16xi32>, vector<16xi32>], vector<16xi32>,
      %mul3A_457 = arith.constant 100 : i32
      %mul3A_458 = vector.broadcast %mul3A_457 : i32 to vector<16xi32>
      %mul3A_459 = arith.muli %mul3A_458, %gather3A_456 : vector<16xi32>
      %add3A_460 = arith.addi %gather3A_455, %mul3A_459 : vector<16xi32>
      %convert_element_type3A_461 = arith.sitofp %add3A_460 : vector<16xi32> to vector<16xf32>
      %mul3A_462 = arith.constant 0.00502512557 : f32
      %mul3A_463 = vector.broadcast %mul3A_462 : f32 to vector<16xf32>
      %mul3A_464 = arith.mulf %convert_element_type3A_461, %mul3A_463 : vector<16xf32>
      %convert_element_type3A_465 = arith.fptosi %mul3A_464 : vector<16xf32> to vector<16xi32>
      %mul3A_466 = arith.constant 199 : i32
      %mul3A_467 = vector.broadcast %mul3A_466 : i32 to vector<16xi32>
      %mul3A_468 = arith.muli %convert_element_type3A_465, %mul3A_467 : vector<16xi32>
      %sub3A_469 = arith.subi %add3A_460, %mul3A_468 : vector<16xi32>
      %lt3A_470 = arith.constant 0 : i32
      %lt3A_471 = vector.broadcast %lt3A_470 : i32 to vector<16xi32>
      %lt3A_472 = arith.cmpi slt, %sub3A_469, %lt3A_471 : vector<16xi32>
      %add3A_473 = arith.constant 199 : i32
      %add3A_474 = vector.broadcast %add3A_473 : i32 to vector<16xi32>
      %add3A_475 = arith.addi %sub3A_469, %add3A_474 : vector<16xi32>
      %select_n3A_476 = arith.select %lt3A_472, %add3A_475, %sub3A_469 : vector<16xi1>, vector<16xi32>
      %ge3A_477 = arith.constant 199 : i32
      %ge3A_478 = vector.broadcast %ge3A_477 : i32 to vector<16xi32>
      %ge3A_479 = arith.cmpi sge, %select_n3A_476, %ge3A_478 : vector<16xi32>
      %sub3A_480 = arith.constant 199 : i32
      %sub3A_481 = vector.broadcast %sub3A_480 : i32 to vector<16xi32>
      %sub3A_482 = arith.subi %select_n3A_476, %sub3A_481 : vector<16xi32>
      %select_n3A_483 = arith.select %ge3A_479, %sub3A_482, %select_n3A_476 : vector<16xi1>, vector<16xi32>
      %add3A_484 = arith.constant 1 : i32
      %add3A_485 = vector.broadcast %add3A_484 : i32 to vector<16xi32>
      %add3A_486 = arith.addi %select_n3A_483, %add3A_485 : vector<16xi32>
      %lt3A_487 = arith.constant 199 : i32
      %lt3A_488 = vector.broadcast %lt3A_487 : i32 to vector<16xi32>
      %lt3A_489 = arith.cmpi slt, %add3A_445, %lt3A_488 : vector<16xi32>
      %jit3A_490 = arith.constant 0 : i32
      %broadcast_in_dim3A_491 = vector.broadcast %jit3A_490 : i32 to vector<16xi32>
      %select_n3A_492 = arith.select %lt3A_489, %add3A_486, %broadcast_in_dim3A_491 : vector<16xi1>, vector<16xi32>
      tpu.vector_store_idx %arg9[%broadcast_in_dim3A_150, %select_n3A_492], %broadcast_in_dim3A_5 {add = true} : memref<128x208xf32, #tpu.memory_space<vmem>>[vector<16xi32>, vector<16xi32>], vector<16xf32>,
      %add3A_493 = arith.constant 112 : i32
      %add3A_494 = vector.broadcast %add3A_493 : i32 to vector<16xi32>
      %add3A_495 = arith.addi %iota3A, %add3A_494 : vector<16xi32>
      %min3A_496 = arith.constant 199 : i32
      %min3A_497 = vector.broadcast %min3A_496 : i32 to vector<16xi32>
      %min3A_498 = arith.minsi %add3A_495, %min3A_497 : vector<16xi32>
      %add3A_499 = arith.constant 1 : i32
      %add3A_500 = vector.broadcast %add3A_499 : i32 to vector<16xi32>
      %add3A_501 = arith.addi %add3A_495, %add3A_500 : vector<16xi32>
      %min3A_502 = arith.constant 199 : i32
      %min3A_503 = vector.broadcast %min3A_502 : i32 to vector<16xi32>
      %min3A_504 = arith.minsi %add3A_501, %min3A_503 : vector<16xi32>
      %gather3A_505 = tpu.vector_load_idx %arg6[%broadcast_in_dim3A_150, %min3A_498] : memref<128x200xi32, #tpu.memory_space<vmem>>[vector<16xi32>, vector<16xi32>], vector<16xi32>,
      %gather3A_506 = tpu.vector_load_idx %arg6[%broadcast_in_dim3A_150, %min3A_504] : memref<128x200xi32, #tpu.memory_space<vmem>>[vector<16xi32>, vector<16xi32>], vector<16xi32>,
      %mul3A_507 = arith.constant 100 : i32
      %mul3A_508 = vector.broadcast %mul3A_507 : i32 to vector<16xi32>
      %mul3A_509 = arith.muli %mul3A_508, %gather3A_506 : vector<16xi32>
      %add3A_510 = arith.addi %gather3A_505, %mul3A_509 : vector<16xi32>
      %convert_element_type3A_511 = arith.sitofp %add3A_510 : vector<16xi32> to vector<16xf32>
      %mul3A_512 = arith.constant 0.00502512557 : f32
      %mul3A_513 = vector.broadcast %mul3A_512 : f32 to vector<16xf32>
      %mul3A_514 = arith.mulf %convert_element_type3A_511, %mul3A_513 : vector<16xf32>
      %convert_element_type3A_515 = arith.fptosi %mul3A_514 : vector<16xf32> to vector<16xi32>
      %mul3A_516 = arith.constant 199 : i32
      %mul3A_517 = vector.broadcast %mul3A_516 : i32 to vector<16xi32>
      %mul3A_518 = arith.muli %convert_element_type3A_515, %mul3A_517 : vector<16xi32>
      %sub3A_519 = arith.subi %add3A_510, %mul3A_518 : vector<16xi32>
      %lt3A_520 = arith.constant 0 : i32
      %lt3A_521 = vector.broadcast %lt3A_520 : i32 to vector<16xi32>
      %lt3A_522 = arith.cmpi slt, %sub3A_519, %lt3A_521 : vector<16xi32>
      %add3A_523 = arith.constant 199 : i32
      %add3A_524 = vector.broadcast %add3A_523 : i32 to vector<16xi32>
      %add3A_525 = arith.addi %sub3A_519, %add3A_524 : vector<16xi32>
      %select_n3A_526 = arith.select %lt3A_522, %add3A_525, %sub3A_519 : vector<16xi1>, vector<16xi32>
      %ge3A_527 = arith.constant 199 : i32
      %ge3A_528 = vector.broadcast %ge3A_527 : i32 to vector<16xi32>
      %ge3A_529 = arith.cmpi sge, %select_n3A_526, %ge3A_528 : vector<16xi32>
      %sub3A_530 = arith.constant 199 : i32
      %sub3A_531 = vector.broadcast %sub3A_530 : i32 to vector<16xi32>
      %sub3A_532 = arith.subi %select_n3A_526, %sub3A_531 : vector<16xi32>
      %select_n3A_533 = arith.select %ge3A_529, %sub3A_532, %select_n3A_526 : vector<16xi1>, vector<16xi32>
      %add3A_534 = arith.constant 1 : i32
      %add3A_535 = vector.broadcast %add3A_534 : i32 to vector<16xi32>
      %add3A_536 = arith.addi %select_n3A_533, %add3A_535 : vector<16xi32>
      %lt3A_537 = arith.constant 199 : i32
      %lt3A_538 = vector.broadcast %lt3A_537 : i32 to vector<16xi32>
      %lt3A_539 = arith.cmpi slt, %add3A_495, %lt3A_538 : vector<16xi32>
      %jit3A_540 = arith.constant 0 : i32
      %broadcast_in_dim3A_541 = vector.broadcast %jit3A_540 : i32 to vector<16xi32>
      %select_n3A_542 = arith.select %lt3A_539, %add3A_536, %broadcast_in_dim3A_541 : vector<16xi1>, vector<16xi32>
      tpu.vector_store_idx %arg9[%broadcast_in_dim3A_150, %select_n3A_542], %broadcast_in_dim3A_5 {add = true} : memref<128x208xf32, #tpu.memory_space<vmem>>[vector<16xi32>, vector<16xi32>], vector<16xf32>,
      %add3A_543 = arith.constant 128 : i32
      %add3A_544 = vector.broadcast %add3A_543 : i32 to vector<16xi32>
      %add3A_545 = arith.addi %iota3A, %add3A_544 : vector<16xi32>
      %min3A_546 = arith.constant 199 : i32
      %min3A_547 = vector.broadcast %min3A_546 : i32 to vector<16xi32>
      %min3A_548 = arith.minsi %add3A_545, %min3A_547 : vector<16xi32>
      %add3A_549 = arith.constant 1 : i32
      %add3A_550 = vector.broadcast %add3A_549 : i32 to vector<16xi32>
      %add3A_551 = arith.addi %add3A_545, %add3A_550 : vector<16xi32>
      %min3A_552 = arith.constant 199 : i32
      %min3A_553 = vector.broadcast %min3A_552 : i32 to vector<16xi32>
      %min3A_554 = arith.minsi %add3A_551, %min3A_553 : vector<16xi32>
      %gather3A_555 = tpu.vector_load_idx %arg6[%broadcast_in_dim3A_150, %min3A_548] : memref<128x200xi32, #tpu.memory_space<vmem>>[vector<16xi32>, vector<16xi32>], vector<16xi32>,
      %gather3A_556 = tpu.vector_load_idx %arg6[%broadcast_in_dim3A_150, %min3A_554] : memref<128x200xi32, #tpu.memory_space<vmem>>[vector<16xi32>, vector<16xi32>], vector<16xi32>,
      %mul3A_557 = arith.constant 100 : i32
      %mul3A_558 = vector.broadcast %mul3A_557 : i32 to vector<16xi32>
      %mul3A_559 = arith.muli %mul3A_558, %gather3A_556 : vector<16xi32>
      %add3A_560 = arith.addi %gather3A_555, %mul3A_559 : vector<16xi32>
      %convert_element_type3A_561 = arith.sitofp %add3A_560 : vector<16xi32> to vector<16xf32>
      %mul3A_562 = arith.constant 0.00502512557 : f32
      %mul3A_563 = vector.broadcast %mul3A_562 : f32 to vector<16xf32>
      %mul3A_564 = arith.mulf %convert_element_type3A_561, %mul3A_563 : vector<16xf32>
      %convert_element_type3A_565 = arith.fptosi %mul3A_564 : vector<16xf32> to vector<16xi32>
      %mul3A_566 = arith.constant 199 : i32
      %mul3A_567 = vector.broadcast %mul3A_566 : i32 to vector<16xi32>
      %mul3A_568 = arith.muli %convert_element_type3A_565, %mul3A_567 : vector<16xi32>
      %sub3A_569 = arith.subi %add3A_560, %mul3A_568 : vector<16xi32>
      %lt3A_570 = arith.constant 0 : i32
      %lt3A_571 = vector.broadcast %lt3A_570 : i32 to vector<16xi32>
      %lt3A_572 = arith.cmpi slt, %sub3A_569, %lt3A_571 : vector<16xi32>
      %add3A_573 = arith.constant 199 : i32
      %add3A_574 = vector.broadcast %add3A_573 : i32 to vector<16xi32>
      %add3A_575 = arith.addi %sub3A_569, %add3A_574 : vector<16xi32>
      %select_n3A_576 = arith.select %lt3A_572, %add3A_575, %sub3A_569 : vector<16xi1>, vector<16xi32>
      %ge3A_577 = arith.constant 199 : i32
      %ge3A_578 = vector.broadcast %ge3A_577 : i32 to vector<16xi32>
      %ge3A_579 = arith.cmpi sge, %select_n3A_576, %ge3A_578 : vector<16xi32>
      %sub3A_580 = arith.constant 199 : i32
      %sub3A_581 = vector.broadcast %sub3A_580 : i32 to vector<16xi32>
      %sub3A_582 = arith.subi %select_n3A_576, %sub3A_581 : vector<16xi32>
      %select_n3A_583 = arith.select %ge3A_579, %sub3A_582, %select_n3A_576 : vector<16xi1>, vector<16xi32>
      %add3A_584 = arith.constant 1 : i32
      %add3A_585 = vector.broadcast %add3A_584 : i32 to vector<16xi32>
      %add3A_586 = arith.addi %select_n3A_583, %add3A_585 : vector<16xi32>
      %lt3A_587 = arith.constant 199 : i32
      %lt3A_588 = vector.broadcast %lt3A_587 : i32 to vector<16xi32>
      %lt3A_589 = arith.cmpi slt, %add3A_545, %lt3A_588 : vector<16xi32>
      %jit3A_590 = arith.constant 0 : i32
      %broadcast_in_dim3A_591 = vector.broadcast %jit3A_590 : i32 to vector<16xi32>
      %select_n3A_592 = arith.select %lt3A_589, %add3A_586, %broadcast_in_dim3A_591 : vector<16xi1>, vector<16xi32>
      tpu.vector_store_idx %arg9[%broadcast_in_dim3A_150, %select_n3A_592], %broadcast_in_dim3A_5 {add = true} : memref<128x208xf32, #tpu.memory_space<vmem>>[vector<16xi32>, vector<16xi32>], vector<16xf32>,
      %add3A_593 = arith.constant 144 : i32
      %add3A_594 = vector.broadcast %add3A_593 : i32 to vector<16xi32>
      %add3A_595 = arith.addi %iota3A, %add3A_594 : vector<16xi32>
      %min3A_596 = arith.constant 199 : i32
      %min3A_597 = vector.broadcast %min3A_596 : i32 to vector<16xi32>
      %min3A_598 = arith.minsi %add3A_595, %min3A_597 : vector<16xi32>
      %add3A_599 = arith.constant 1 : i32
      %add3A_600 = vector.broadcast %add3A_599 : i32 to vector<16xi32>
      %add3A_601 = arith.addi %add3A_595, %add3A_600 : vector<16xi32>
      %min3A_602 = arith.constant 199 : i32
      %min3A_603 = vector.broadcast %min3A_602 : i32 to vector<16xi32>
      %min3A_604 = arith.minsi %add3A_601, %min3A_603 : vector<16xi32>
      %gather3A_605 = tpu.vector_load_idx %arg6[%broadcast_in_dim3A_150, %min3A_598] : memref<128x200xi32, #tpu.memory_space<vmem>>[vector<16xi32>, vector<16xi32>], vector<16xi32>,
      %gather3A_606 = tpu.vector_load_idx %arg6[%broadcast_in_dim3A_150, %min3A_604] : memref<128x200xi32, #tpu.memory_space<vmem>>[vector<16xi32>, vector<16xi32>], vector<16xi32>,
      %mul3A_607 = arith.constant 100 : i32
      %mul3A_608 = vector.broadcast %mul3A_607 : i32 to vector<16xi32>
      %mul3A_609 = arith.muli %mul3A_608, %gather3A_606 : vector<16xi32>
      %add3A_610 = arith.addi %gather3A_605, %mul3A_609 : vector<16xi32>
      %convert_element_type3A_611 = arith.sitofp %add3A_610 : vector<16xi32> to vector<16xf32>
      %mul3A_612 = arith.constant 0.00502512557 : f32
      %mul3A_613 = vector.broadcast %mul3A_612 : f32 to vector<16xf32>
      %mul3A_614 = arith.mulf %convert_element_type3A_611, %mul3A_613 : vector<16xf32>
      %convert_element_type3A_615 = arith.fptosi %mul3A_614 : vector<16xf32> to vector<16xi32>
      %mul3A_616 = arith.constant 199 : i32
      %mul3A_617 = vector.broadcast %mul3A_616 : i32 to vector<16xi32>
      %mul3A_618 = arith.muli %convert_element_type3A_615, %mul3A_617 : vector<16xi32>
      %sub3A_619 = arith.subi %add3A_610, %mul3A_618 : vector<16xi32>
      %lt3A_620 = arith.constant 0 : i32
      %lt3A_621 = vector.broadcast %lt3A_620 : i32 to vector<16xi32>
      %lt3A_622 = arith.cmpi slt, %sub3A_619, %lt3A_621 : vector<16xi32>
      %add3A_623 = arith.constant 199 : i32
      %add3A_624 = vector.broadcast %add3A_623 : i32 to vector<16xi32>
      %add3A_625 = arith.addi %sub3A_619, %add3A_624 : vector<16xi32>
      %select_n3A_626 = arith.select %lt3A_622, %add3A_625, %sub3A_619 : vector<16xi1>, vector<16xi32>
      %ge3A_627 = arith.constant 199 : i32
      %ge3A_628 = vector.broadcast %ge3A_627 : i32 to vector<16xi32>
      %ge3A_629 = arith.cmpi sge, %select_n3A_626, %ge3A_628 : vector<16xi32>
      %sub3A_630 = arith.constant 199 : i32
      %sub3A_631 = vector.broadcast %sub3A_630 : i32 to vector<16xi32>
      %sub3A_632 = arith.subi %select_n3A_626, %sub3A_631 : vector<16xi32>
      %select_n3A_633 = arith.select %ge3A_629, %sub3A_632, %select_n3A_626 : vector<16xi1>, vector<16xi32>
      %add3A_634 = arith.constant 1 : i32
      %add3A_635 = vector.broadcast %add3A_634 : i32 to vector<16xi32>
      %add3A_636 = arith.addi %select_n3A_633, %add3A_635 : vector<16xi32>
      %lt3A_637 = arith.constant 199 : i32
      %lt3A_638 = vector.broadcast %lt3A_637 : i32 to vector<16xi32>
      %lt3A_639 = arith.cmpi slt, %add3A_595, %lt3A_638 : vector<16xi32>
      %jit3A_640 = arith.constant 0 : i32
      %broadcast_in_dim3A_641 = vector.broadcast %jit3A_640 : i32 to vector<16xi32>
      %select_n3A_642 = arith.select %lt3A_639, %add3A_636, %broadcast_in_dim3A_641 : vector<16xi1>, vector<16xi32>
      tpu.vector_store_idx %arg9[%broadcast_in_dim3A_150, %select_n3A_642], %broadcast_in_dim3A_5 {add = true} : memref<128x208xf32, #tpu.memory_space<vmem>>[vector<16xi32>, vector<16xi32>], vector<16xf32>,
      %add3A_643 = arith.constant 160 : i32
      %add3A_644 = vector.broadcast %add3A_643 : i32 to vector<16xi32>
      %add3A_645 = arith.addi %iota3A, %add3A_644 : vector<16xi32>
      %min3A_646 = arith.constant 199 : i32
      %min3A_647 = vector.broadcast %min3A_646 : i32 to vector<16xi32>
      %min3A_648 = arith.minsi %add3A_645, %min3A_647 : vector<16xi32>
      %add3A_649 = arith.constant 1 : i32
      %add3A_650 = vector.broadcast %add3A_649 : i32 to vector<16xi32>
      %add3A_651 = arith.addi %add3A_645, %add3A_650 : vector<16xi32>
      %min3A_652 = arith.constant 199 : i32
      %min3A_653 = vector.broadcast %min3A_652 : i32 to vector<16xi32>
      %min3A_654 = arith.minsi %add3A_651, %min3A_653 : vector<16xi32>
      %gather3A_655 = tpu.vector_load_idx %arg6[%broadcast_in_dim3A_150, %min3A_648] : memref<128x200xi32, #tpu.memory_space<vmem>>[vector<16xi32>, vector<16xi32>], vector<16xi32>,
      %gather3A_656 = tpu.vector_load_idx %arg6[%broadcast_in_dim3A_150, %min3A_654] : memref<128x200xi32, #tpu.memory_space<vmem>>[vector<16xi32>, vector<16xi32>], vector<16xi32>,
      %mul3A_657 = arith.constant 100 : i32
      %mul3A_658 = vector.broadcast %mul3A_657 : i32 to vector<16xi32>
      %mul3A_659 = arith.muli %mul3A_658, %gather3A_656 : vector<16xi32>
      %add3A_660 = arith.addi %gather3A_655, %mul3A_659 : vector<16xi32>
      %convert_element_type3A_661 = arith.sitofp %add3A_660 : vector<16xi32> to vector<16xf32>
      %mul3A_662 = arith.constant 0.00502512557 : f32
      %mul3A_663 = vector.broadcast %mul3A_662 : f32 to vector<16xf32>
      %mul3A_664 = arith.mulf %convert_element_type3A_661, %mul3A_663 : vector<16xf32>
      %convert_element_type3A_665 = arith.fptosi %mul3A_664 : vector<16xf32> to vector<16xi32>
      %mul3A_666 = arith.constant 199 : i32
      %mul3A_667 = vector.broadcast %mul3A_666 : i32 to vector<16xi32>
      %mul3A_668 = arith.muli %convert_element_type3A_665, %mul3A_667 : vector<16xi32>
      %sub3A_669 = arith.subi %add3A_660, %mul3A_668 : vector<16xi32>
      %lt3A_670 = arith.constant 0 : i32
      %lt3A_671 = vector.broadcast %lt3A_670 : i32 to vector<16xi32>
      %lt3A_672 = arith.cmpi slt, %sub3A_669, %lt3A_671 : vector<16xi32>
      %add3A_673 = arith.constant 199 : i32
      %add3A_674 = vector.broadcast %add3A_673 : i32 to vector<16xi32>
      %add3A_675 = arith.addi %sub3A_669, %add3A_674 : vector<16xi32>
      %select_n3A_676 = arith.select %lt3A_672, %add3A_675, %sub3A_669 : vector<16xi1>, vector<16xi32>
      %ge3A_677 = arith.constant 199 : i32
      %ge3A_678 = vector.broadcast %ge3A_677 : i32 to vector<16xi32>
      %ge3A_679 = arith.cmpi sge, %select_n3A_676, %ge3A_678 : vector<16xi32>
      %sub3A_680 = arith.constant 199 : i32
      %sub3A_681 = vector.broadcast %sub3A_680 : i32 to vector<16xi32>
      %sub3A_682 = arith.subi %select_n3A_676, %sub3A_681 : vector<16xi32>
      %select_n3A_683 = arith.select %ge3A_679, %sub3A_682, %select_n3A_676 : vector<16xi1>, vector<16xi32>
      %add3A_684 = arith.constant 1 : i32
      %add3A_685 = vector.broadcast %add3A_684 : i32 to vector<16xi32>
      %add3A_686 = arith.addi %select_n3A_683, %add3A_685 : vector<16xi32>
      %lt3A_687 = arith.constant 199 : i32
      %lt3A_688 = vector.broadcast %lt3A_687 : i32 to vector<16xi32>
      %lt3A_689 = arith.cmpi slt, %add3A_645, %lt3A_688 : vector<16xi32>
      %jit3A_690 = arith.constant 0 : i32
      %broadcast_in_dim3A_691 = vector.broadcast %jit3A_690 : i32 to vector<16xi32>
      %select_n3A_692 = arith.select %lt3A_689, %add3A_686, %broadcast_in_dim3A_691 : vector<16xi1>, vector<16xi32>
      tpu.vector_store_idx %arg9[%broadcast_in_dim3A_150, %select_n3A_692], %broadcast_in_dim3A_5 {add = true} : memref<128x208xf32, #tpu.memory_space<vmem>>[vector<16xi32>, vector<16xi32>], vector<16xf32>,
      %add3A_693 = arith.constant 176 : i32
      %add3A_694 = vector.broadcast %add3A_693 : i32 to vector<16xi32>
      %add3A_695 = arith.addi %iota3A, %add3A_694 : vector<16xi32>
      %min3A_696 = arith.constant 199 : i32
      %min3A_697 = vector.broadcast %min3A_696 : i32 to vector<16xi32>
      %min3A_698 = arith.minsi %add3A_695, %min3A_697 : vector<16xi32>
      %add3A_699 = arith.constant 1 : i32
      %add3A_700 = vector.broadcast %add3A_699 : i32 to vector<16xi32>
      %add3A_701 = arith.addi %add3A_695, %add3A_700 : vector<16xi32>
      %min3A_702 = arith.constant 199 : i32
      %min3A_703 = vector.broadcast %min3A_702 : i32 to vector<16xi32>
      %min3A_704 = arith.minsi %add3A_701, %min3A_703 : vector<16xi32>
      %gather3A_705 = tpu.vector_load_idx %arg6[%broadcast_in_dim3A_150, %min3A_698] : memref<128x200xi32, #tpu.memory_space<vmem>>[vector<16xi32>, vector<16xi32>], vector<16xi32>,
      %gather3A_706 = tpu.vector_load_idx %arg6[%broadcast_in_dim3A_150, %min3A_704] : memref<128x200xi32, #tpu.memory_space<vmem>>[vector<16xi32>, vector<16xi32>], vector<16xi32>,
      %mul3A_707 = arith.constant 100 : i32
      %mul3A_708 = vector.broadcast %mul3A_707 : i32 to vector<16xi32>
      %mul3A_709 = arith.muli %mul3A_708, %gather3A_706 : vector<16xi32>
      %add3A_710 = arith.addi %gather3A_705, %mul3A_709 : vector<16xi32>
      %convert_element_type3A_711 = arith.sitofp %add3A_710 : vector<16xi32> to vector<16xf32>
      %mul3A_712 = arith.constant 0.00502512557 : f32
      %mul3A_713 = vector.broadcast %mul3A_712 : f32 to vector<16xf32>
      %mul3A_714 = arith.mulf %convert_element_type3A_711, %mul3A_713 : vector<16xf32>
      %convert_element_type3A_715 = arith.fptosi %mul3A_714 : vector<16xf32> to vector<16xi32>
      %mul3A_716 = arith.constant 199 : i32
      %mul3A_717 = vector.broadcast %mul3A_716 : i32 to vector<16xi32>
      %mul3A_718 = arith.muli %convert_element_type3A_715, %mul3A_717 : vector<16xi32>
      %sub3A_719 = arith.subi %add3A_710, %mul3A_718 : vector<16xi32>
      %lt3A_720 = arith.constant 0 : i32
      %lt3A_721 = vector.broadcast %lt3A_720 : i32 to vector<16xi32>
      %lt3A_722 = arith.cmpi slt, %sub3A_719, %lt3A_721 : vector<16xi32>
      %add3A_723 = arith.constant 199 : i32
      %add3A_724 = vector.broadcast %add3A_723 : i32 to vector<16xi32>
      %add3A_725 = arith.addi %sub3A_719, %add3A_724 : vector<16xi32>
      %select_n3A_726 = arith.select %lt3A_722, %add3A_725, %sub3A_719 : vector<16xi1>, vector<16xi32>
      %ge3A_727 = arith.constant 199 : i32
      %ge3A_728 = vector.broadcast %ge3A_727 : i32 to vector<16xi32>
      %ge3A_729 = arith.cmpi sge, %select_n3A_726, %ge3A_728 : vector<16xi32>
      %sub3A_730 = arith.constant 199 : i32
      %sub3A_731 = vector.broadcast %sub3A_730 : i32 to vector<16xi32>
      %sub3A_732 = arith.subi %select_n3A_726, %sub3A_731 : vector<16xi32>
      %select_n3A_733 = arith.select %ge3A_729, %sub3A_732, %select_n3A_726 : vector<16xi1>, vector<16xi32>
      %add3A_734 = arith.constant 1 : i32
      %add3A_735 = vector.broadcast %add3A_734 : i32 to vector<16xi32>
      %add3A_736 = arith.addi %select_n3A_733, %add3A_735 : vector<16xi32>
      %lt3A_737 = arith.constant 199 : i32
      %lt3A_738 = vector.broadcast %lt3A_737 : i32 to vector<16xi32>
      %lt3A_739 = arith.cmpi slt, %add3A_695, %lt3A_738 : vector<16xi32>
      %jit3A_740 = arith.constant 0 : i32
      %broadcast_in_dim3A_741 = vector.broadcast %jit3A_740 : i32 to vector<16xi32>
      %select_n3A_742 = arith.select %lt3A_739, %add3A_736, %broadcast_in_dim3A_741 : vector<16xi1>, vector<16xi32>
      tpu.vector_store_idx %arg9[%broadcast_in_dim3A_150, %select_n3A_742], %broadcast_in_dim3A_5 {add = true} : memref<128x208xf32, #tpu.memory_space<vmem>>[vector<16xi32>, vector<16xi32>], vector<16xf32>,
      %add3A_743 = arith.constant 192 : i32
      %add3A_744 = vector.broadcast %add3A_743 : i32 to vector<16xi32>
      %add3A_745 = arith.addi %iota3A, %add3A_744 : vector<16xi32>
      %min3A_746 = arith.constant 199 : i32
      %min3A_747 = vector.broadcast %min3A_746 : i32 to vector<16xi32>
      %min3A_748 = arith.minsi %add3A_745, %min3A_747 : vector<16xi32>
      %add3A_749 = arith.constant 1 : i32
      %add3A_750 = vector.broadcast %add3A_749 : i32 to vector<16xi32>
      %add3A_751 = arith.addi %add3A_745, %add3A_750 : vector<16xi32>
      %min3A_752 = arith.constant 199 : i32
      %min3A_753 = vector.broadcast %min3A_752 : i32 to vector<16xi32>
      %min3A_754 = arith.minsi %add3A_751, %min3A_753 : vector<16xi32>
      %gather3A_755 = tpu.vector_load_idx %arg6[%broadcast_in_dim3A_150, %min3A_748] : memref<128x200xi32, #tpu.memory_space<vmem>>[vector<16xi32>, vector<16xi32>], vector<16xi32>,
      %gather3A_756 = tpu.vector_load_idx %arg6[%broadcast_in_dim3A_150, %min3A_754] : memref<128x200xi32, #tpu.memory_space<vmem>>[vector<16xi32>, vector<16xi32>], vector<16xi32>,
      %mul3A_757 = arith.constant 100 : i32
      %mul3A_758 = vector.broadcast %mul3A_757 : i32 to vector<16xi32>
      %mul3A_759 = arith.muli %mul3A_758, %gather3A_756 : vector<16xi32>
      %add3A_760 = arith.addi %gather3A_755, %mul3A_759 : vector<16xi32>
      %convert_element_type3A_761 = arith.sitofp %add3A_760 : vector<16xi32> to vector<16xf32>
      %mul3A_762 = arith.constant 0.00502512557 : f32
      %mul3A_763 = vector.broadcast %mul3A_762 : f32 to vector<16xf32>
      %mul3A_764 = arith.mulf %convert_element_type3A_761, %mul3A_763 : vector<16xf32>
      %convert_element_type3A_765 = arith.fptosi %mul3A_764 : vector<16xf32> to vector<16xi32>
      %mul3A_766 = arith.constant 199 : i32
      %mul3A_767 = vector.broadcast %mul3A_766 : i32 to vector<16xi32>
      %mul3A_768 = arith.muli %convert_element_type3A_765, %mul3A_767 : vector<16xi32>
      %sub3A_769 = arith.subi %add3A_760, %mul3A_768 : vector<16xi32>
      %lt3A_770 = arith.constant 0 : i32
      %lt3A_771 = vector.broadcast %lt3A_770 : i32 to vector<16xi32>
      %lt3A_772 = arith.cmpi slt, %sub3A_769, %lt3A_771 : vector<16xi32>
      %add3A_773 = arith.constant 199 : i32
      %add3A_774 = vector.broadcast %add3A_773 : i32 to vector<16xi32>
      %add3A_775 = arith.addi %sub3A_769, %add3A_774 : vector<16xi32>
      %select_n3A_776 = arith.select %lt3A_772, %add3A_775, %sub3A_769 : vector<16xi1>, vector<16xi32>
      %ge3A_777 = arith.constant 199 : i32
      %ge3A_778 = vector.broadcast %ge3A_777 : i32 to vector<16xi32>
      %ge3A_779 = arith.cmpi sge, %select_n3A_776, %ge3A_778 : vector<16xi32>
      %sub3A_780 = arith.constant 199 : i32
      %sub3A_781 = vector.broadcast %sub3A_780 : i32 to vector<16xi32>
      %sub3A_782 = arith.subi %select_n3A_776, %sub3A_781 : vector<16xi32>
      %select_n3A_783 = arith.select %ge3A_779, %sub3A_782, %select_n3A_776 : vector<16xi1>, vector<16xi32>
      %add3A_784 = arith.constant 1 : i32
      %add3A_785 = vector.broadcast %add3A_784 : i32 to vector<16xi32>
      %add3A_786 = arith.addi %select_n3A_783, %add3A_785 : vector<16xi32>
      %lt3A_787 = arith.constant 199 : i32
      %lt3A_788 = vector.broadcast %lt3A_787 : i32 to vector<16xi32>
      %lt3A_789 = arith.cmpi slt, %add3A_745, %lt3A_788 : vector<16xi32>
      %jit3A_790 = arith.constant 0 : i32
      %broadcast_in_dim3A_791 = vector.broadcast %jit3A_790 : i32 to vector<16xi32>
      %select_n3A_792 = arith.select %lt3A_789, %add3A_786, %broadcast_in_dim3A_791 : vector<16xi1>, vector<16xi32>
      tpu.vector_store_idx %arg9[%broadcast_in_dim3A_150, %select_n3A_792], %broadcast_in_dim3A_5 {add = true} : memref<128x208xf32, #tpu.memory_space<vmem>>[vector<16xi32>, vector<16xi32>], vector<16xf32>,
      %add3A_793 = arith.constant 4 : i32
      %add3A_794 = arith.addi %scan3A_112, %add3A_793 : i32
      %lt3A_795 = arith.constant 128 : i32
      %lt3A_796 = arith.cmpi slt, %add3A_794, %lt3A_795 : i32
      %convert_element_type3A_797 = arith.extui %lt3A_796 : i1 to i32
      %cond3A = arith.constant 0 : i32
      %cond3A_798 = arith.cmpi ne, %convert_element_type3A_797, %cond3A : i32
      scf.if %cond3A_798 {
        %add3A_799 = arith.constant 4 : i32
        %add3A_800 = arith.addi %scan3A_112, %add3A_799 : i32
        %dma_start3A_801 = arith.constant 0 : i32
        %dma_start3A_802 = arith.constant 0 : i32
        %dma_start3A_803 = tpu.memref_slice %arg7[%rem3A_113, %dma_start3A_801, %dma_start3A_802] : memref<4x200x64xf32, #tpu.memory_space<vmem>> -> memref<1x128x64xf32, #tpu.memory_space<vmem>>
        %dma_start3A_804 = tpu.memref_squeeze %dma_start3A_803 : memref<1x128x64xf32, #tpu.memory_space<vmem>> -> memref<128x64xf32, #tpu.memory_space<vmem>>
        %dma_start3A_805 = arith.constant 0 : i32
        %dma_start3A_806 = tpu.memref_slice %arg6[%add3A_800, %dma_start3A_805] : memref<128x200xi32, #tpu.memory_space<vmem>> -> memref<1x128xi32, #tpu.memory_space<vmem>>
        %dma_start3A_807 = tpu.memref_squeeze %dma_start3A_806 : memref<1x128xi32, #tpu.memory_space<vmem>> -> memref<128xi32, #tpu.memory_space<vmem>>
        %dma_start3A_808 = arith.constant 0 : i32
        %dma_start3A_809 = arith.constant 0 : i32
        %dma_start3A_810 = tpu.memref_slice %arg3[%dma_start3A_808, %dma_start3A_809] : memref<100000x64xf32, #tpu.memory_space<hbm>> -> memref<100000x64xf32, #tpu.memory_space<hbm>>
        tpu.enqueue_indirect_dma source(%dma_start3A_810 : memref<100000x64xf32, #tpu.memory_space<hbm>>) target(%dma_start3A_804 : memref<128x64xf32, #tpu.memory_space<vmem>>) offsets(%dma_start3A_807 : memref<128xi32, #tpu.memory_space<vmem>>) semaphore(%arg10 : memref<!tpu.dma_semaphore, #tpu.memory_space<semaphore_mem>>)
        %dma_start3A_811 = arith.constant 128 : i32
        %dma_start3A_812 = arith.constant 0 : i32
        %dma_start3A_813 = tpu.memref_slice %arg7[%rem3A_113, %dma_start3A_811, %dma_start3A_812] : memref<4x200x64xf32, #tpu.memory_space<vmem>> -> memref<1x72x64xf32, #tpu.memory_space<vmem>>
        %dma_start3A_814 = tpu.memref_squeeze %dma_start3A_813 : memref<1x72x64xf32, #tpu.memory_space<vmem>> -> memref<72x64xf32, #tpu.memory_space<vmem>>
        %dma_start3A_815 = arith.constant 128 : i32
        %dma_start3A_816 = tpu.memref_slice %arg6[%add3A_800, %dma_start3A_815] : memref<128x200xi32, #tpu.memory_space<vmem>> -> memref<1x72xi32, #tpu.memory_space<vmem>>
        %dma_start3A_817 = tpu.memref_squeeze %dma_start3A_816 : memref<1x72xi32, #tpu.memory_space<vmem>> -> memref<72xi32, #tpu.memory_space<vmem>>
        %dma_start3A_818 = arith.constant 0 : i32
        %dma_start3A_819 = arith.constant 0 : i32
        %dma_start3A_820 = tpu.memref_slice %arg3[%dma_start3A_818, %dma_start3A_819] : memref<100000x64xf32, #tpu.memory_space<hbm>> -> memref<100000x64xf32, #tpu.memory_space<hbm>>
        tpu.enqueue_indirect_dma source(%dma_start3A_820 : memref<100000x64xf32, #tpu.memory_space<hbm>>) target(%dma_start3A_814 : memref<72x64xf32, #tpu.memory_space<vmem>>) offsets(%dma_start3A_817 : memref<72xi32, #tpu.memory_space<vmem>>) semaphore(%arg10 : memref<!tpu.dma_semaphore, #tpu.memory_space<semaphore_mem>>)
      } else {
      }
    }
    %scan3A_111 = arith.constant 128 : i32
    "tpu.region"() ({
      %run_scoped3A = tpu.sem_alloc : memref<!tpu.dma_semaphore, #tpu.memory_space<semaphore_mem>>
      %dma_start3A_112 = arith.constant 0 : i32
      %dma_start3A_113 = tpu.memref_slice %arg4[%mul3A_2, %dma_start3A_112] : memref<4096x64xf32, #tpu.memory_space<hbm>> -> memref<128x64xf32, #tpu.memory_space<hbm>>
      %dma_start3A_114 = arith.constant 0 : i32
      %dma_start3A_115 = tpu.memref_slice %arg4[%mul3A_2, %dma_start3A_114] : memref<4096x64xf32, #tpu.memory_space<hbm>> -> memref<128x64xf32, #tpu.memory_space<hbm>>
      tpu.enqueue_dma source(%arg8 : memref<128x64xf32, #tpu.memory_space<vmem>>) target(%dma_start3A_115 : memref<128x64xf32, #tpu.memory_space<hbm>>) target_semaphore(%run_scoped3A : memref<!tpu.dma_semaphore, #tpu.memory_space<semaphore_mem>>)
      %dma_wait3A = arith.constant 0 : i32
      %dma_wait3A_116 = tpu.memref_slice %arg4[%mul3A_2, %dma_wait3A] : memref<4096x64xf32, #tpu.memory_space<hbm>> -> memref<128x64xf32, #tpu.memory_space<hbm>>
      %dma_wait3A_117 = arith.constant 0 : i32
      %dma_wait3A_118 = tpu.memref_slice %arg4[%mul3A_2, %dma_wait3A_117] : memref<4096x64xf32, #tpu.memory_space<hbm>> -> memref<128x64xf32, #tpu.memory_space<hbm>>
      tpu.wait_dma2 semaphore(%run_scoped3A : memref<!tpu.dma_semaphore, #tpu.memory_space<semaphore_mem>>) src(%arg8 : memref<128x64xf32, #tpu.memory_space<vmem>>) dst(%dma_wait3A_118 : memref<128x64xf32, #tpu.memory_space<hbm>>)
      tpu.yield
    }) : () -> ()
    "tpu.region"() ({
      %run_scoped3A = tpu.sem_alloc : memref<!tpu.dma_semaphore, #tpu.memory_space<semaphore_mem>>
      %dma_start3A_112 = arith.constant 0 : i32
      %dma_start3A_113 = tpu.memref_slice %arg5[%mul3A_2, %dma_start3A_112] : memref<4096x208xf32, #tpu.memory_space<hbm>> -> memref<128x208xf32, #tpu.memory_space<hbm>>
      %dma_start3A_114 = arith.constant 0 : i32
      %dma_start3A_115 = tpu.memref_slice %arg5[%mul3A_2, %dma_start3A_114] : memref<4096x208xf32, #tpu.memory_space<hbm>> -> memref<128x208xf32, #tpu.memory_space<hbm>>
      tpu.enqueue_dma source(%arg9 : memref<128x208xf32, #tpu.memory_space<vmem>>) target(%dma_start3A_115 : memref<128x208xf32, #tpu.memory_space<hbm>>) target_semaphore(%run_scoped3A : memref<!tpu.dma_semaphore, #tpu.memory_space<semaphore_mem>>)
      %dma_wait3A = arith.constant 0 : i32
      %dma_wait3A_116 = tpu.memref_slice %arg5[%mul3A_2, %dma_wait3A] : memref<4096x208xf32, #tpu.memory_space<hbm>> -> memref<128x208xf32, #tpu.memory_space<hbm>>
      %dma_wait3A_117 = arith.constant 0 : i32
      %dma_wait3A_118 = tpu.memref_slice %arg5[%mul3A_2, %dma_wait3A_117] : memref<4096x208xf32, #tpu.memory_space<hbm>> -> memref<128x208xf32, #tpu.memory_space<hbm>>
      tpu.wait_dma2 semaphore(%run_scoped3A : memref<!tpu.dma_semaphore, #tpu.memory_space<semaphore_mem>>) src(%arg9 : memref<128x208xf32, #tpu.memory_space<vmem>>) dst(%dma_wait3A_118 : memref<128x208xf32, #tpu.memory_space<hbm>>)
      tpu.yield
    }) : () -> ()
    return
  }
}

module attributes {stable_mosaic.version = 14 : i64} {
  func.func @_tc_body(%arg0: i32, %arg1: memref<512x64xf32, #tpu.memory_space<vmem>>, %arg2: memref<512x208xf32, #tpu.memory_space<vmem>>, %arg3: memref<208x64xf32, #tpu.memory_space<vmem>>, %arg4: memref<1000x128xf32, #tpu.memory_space<vmem>>, %arg5: memref<1x1000xf32, #tpu.memory_space<vmem>>, %arg6: memref<512x1000xf32, #tpu.memory_space<vmem>>) attributes {dimension_semantics = [#tpu.dimension_semantics<arbitrary>], iteration_bounds = array<i64: 8>, scalar_prefetch = 0 : i64, scratch_operands = 0 : i64, tpu.core_type = #tpu.core_type<tc>, window_params = [{transform_indices = @transform_0, window_bounds = array<i64: 512, 64>}, {transform_indices = @transform_1, window_bounds = array<i64: 512, 208>}, {pipeline_mode = #tpu.pipeline_mode<synchronous>, transform_indices = @transform_2, window_bounds = array<i64: 208, 64>}, {pipeline_mode = #tpu.pipeline_mode<synchronous>, transform_indices = @transform_3, window_bounds = array<i64: 1000, 128>}, {pipeline_mode = #tpu.pipeline_mode<synchronous>, transform_indices = @transform_4, window_bounds = array<i64: 1, 1000>}, {transform_indices = @transform_5, window_bounds = array<i64: 512, 1000>}]} {
    %get3A = arith.constant 0 : index
    %get3A_0 = arith.constant 0 : index
    %get3A_1 = vector.load %arg1[%get3A, %get3A_0] : memref<512x64xf32, #tpu.memory_space<vmem>>, vector<512x64xf32>
    %mul3A = arith.constant 5.000000e-03 : f32
    %mul3A_2 = vector.broadcast %mul3A : f32 to vector<512x64xf32>
    %mul3A_3 = arith.mulf %get3A_1, %mul3A_2 : vector<512x64xf32>
    %get3A_4 = arith.constant 0 : index
    %get3A_5 = arith.constant 0 : index
    %get3A_6 = vector.load %arg2[%get3A_4, %get3A_5] : memref<512x208xf32, #tpu.memory_space<vmem>>, vector<512x208xf32>
    %get3A_7 = arith.constant 0 : index
    %get3A_8 = arith.constant 0 : index
    %get3A_9 = vector.load %arg3[%get3A_7, %get3A_8] : memref<208x64xf32, #tpu.memory_space<vmem>>, vector<208x64xf32>
    %dot_general3A = arith.constant dense<0.000000e+00> : vector<512x64xf32>
    %dot_general3A_10 = tpu.matmul %get3A_6, %get3A_9, %dot_general3A {dimension_numbers = #tpu.dot_dimension_numbers<[1], [0], [0], [1], [0, 0, 1, 1], [], []>, transpose_lhs_hint = false} : vector<512x208xf32>, vector<208x64xf32>, vector<512x64xf32> -> vector<512x64xf32>
    %mul3A_11 = arith.constant 0.00502512557 : f32
    %mul3A_12 = vector.broadcast %mul3A_11 : f32 to vector<512x64xf32>
    %mul3A_13 = arith.mulf %dot_general3A_10, %mul3A_12 : vector<512x64xf32>
    %get3A_14 = arith.constant 0 : index
    %get3A_15 = arith.constant 0 : index
    %get3A_16 = vector.load %arg4[%get3A_14, %get3A_15] : memref<1000x128xf32, #tpu.memory_space<vmem>>, vector<1000x64xf32>
    %get3A_17 = arith.constant 0 : index
    %get3A_18 = arith.constant 64 : index
    %get3A_19 = vector.load %arg4[%get3A_17, %get3A_18] : memref<1000x128xf32, #tpu.memory_space<vmem>>, vector<1000x64xf32>
    %dot_general3A_20 = arith.constant dense<0.000000e+00> : vector<512x1000xf32>
    %dot_general3A_21 = tpu.matmul %mul3A_3, %get3A_16, %dot_general3A_20 {dimension_numbers = #tpu.dot_dimension_numbers<[1], [1], [0], [0], [0, 0, 1, 0], [], []>, transpose_lhs_hint = false} : vector<512x64xf32>, vector<1000x64xf32>, vector<512x1000xf32> -> vector<512x1000xf32>
    %dot_general3A_22 = arith.constant dense<0.000000e+00> : vector<512x1000xf32>
    %dot_general3A_23 = tpu.matmul %mul3A_13, %get3A_19, %dot_general3A_22 {dimension_numbers = #tpu.dot_dimension_numbers<[1], [1], [0], [0], [0, 0, 1, 0], [], []>, transpose_lhs_hint = false} : vector<512x64xf32>, vector<1000x64xf32>, vector<512x1000xf32> -> vector<512x1000xf32>
    %add3A = arith.addf %dot_general3A_21, %dot_general3A_23 : vector<512x1000xf32>
    %get3A_24 = arith.constant 0 : index
    %get3A_25 = arith.constant 0 : index
    %get3A_26 = vector.load %arg5[%get3A_24, %get3A_25] : memref<1x1000xf32, #tpu.memory_space<vmem>>, vector<1x1000xf32>
    %add3A_27 = vector.broadcast %get3A_26 : vector<1x1000xf32> to vector<512x1000xf32>
    %add3A_28 = arith.addf %add3A, %add3A_27 : vector<512x1000xf32>
    %swap3A = arith.constant 0 : index
    %swap3A_29 = arith.constant 0 : index
    %swap3A_30 = vector.load %arg6[%swap3A, %swap3A_29] : memref<512x1000xf32, #tpu.memory_space<vmem>>, vector<512x1000xf32>
    tpu.vector_store %arg6[%swap3A, %swap3A_29], %add3A_28 {strides = array<i32>} : memref<512x1000xf32, #tpu.memory_space<vmem>>, vector<512x1000xf32>,
    return
  }
  func.func @transform_0(%arg0: i32) -> (i32, i32) {
    %c0_i32 = arith.constant 0 : i32
    %c0_i32_0 = arith.constant 0 : i32
    return %arg0, %c0_i32 : i32, i32
  }
  func.func @transform_1(%arg0: i32) -> (i32, i32) {
    %c0_i32 = arith.constant 0 : i32
    %c0_i32_0 = arith.constant 0 : i32
    return %arg0, %c0_i32 : i32, i32
  }
  func.func @transform_2(%arg0: i32) -> (i32, i32) {
    %c0_i32 = arith.constant 0 : i32
    %c0_i32_0 = arith.constant 0 : i32
    %c0_i32_1 = arith.constant 0 : i32
    return %c0_i32, %c0_i32_0 : i32, i32
  }
  func.func @transform_3(%arg0: i32) -> (i32, i32) {
    %c0_i32 = arith.constant 0 : i32
    %c0_i32_0 = arith.constant 0 : i32
    %c0_i32_1 = arith.constant 0 : i32
    return %c0_i32, %c0_i32_0 : i32, i32
  }
  func.func @transform_4(%arg0: i32) -> (i32, i32) {
    %c0_i32 = arith.constant 0 : i32
    %c0_i32_0 = arith.constant 0 : i32
    %c0_i32_1 = arith.constant 0 : i32
    return %c0_i32, %c0_i32_0 : i32, i32
  }
  func.func @transform_5(%arg0: i32) -> (i32, i32) {
    %c0_i32 = arith.constant 0 : i32
    %c0_i32_0 = arith.constant 0 : i32
    return %arg0, %c0_i32 : i32, i32
  }
}

</mosaic_0001>

<sc_bundles>
// kernel: kernel.4.cloned.1.call-start
scs
__scs_entry_jumppad:
0x0: {  	(pc) =	sbr.rel $0x88, $3  }
0x1: {  	(tag) =	ssettag $0x0;
	lr =	simm.s32 $0x1  }
0x2: {  	[smem:$0x3F9C] =	sst lr;
	_ =	strace $0xD0000000  }
0x3: {  	_ = 	snop  }
0x4: {  	_ = 	snop  }
0x5: {  	_ = 	snop  }
0x6: {  	_ = 	snop  }
0x7: {  	_ = 	snop  }
__scs_overlays_trampoline_lowered:
0x8: {  	[smem:$0x3FAB] =	sst s0  }
0x9: {  	[smem:$0x3FAC] =	sst s1  }
0xa: {  	[smem:$0x3FAD] =	sst s2  }
0xb: {  	[smem:$0x3FAE] =	sst s3  }
0xc: {  	[smem:$0x3FAF] =	sst s4  }
0xd: {  	[smem:$0x3FB0] =	sst s5  }
0xe: {  	[smem:$0x3FB1] =	sst s6  }
0xf: {  	[smem:$0x3FB2] =	sst s7  }
0x10: {  	[smem:$0x3FB3] =	sst s8  }
0x11: {  	[smem:$0x3FB4] =	sst s9;
	s0 =	simm.s32 @!p0 $0x0  }
0x12: {  	s1 =	sld [smem:$0x3F9A];
	s0 =	simm.s32 @p0 $0x1  }
0x13: {  	[smem:$0x3FB5] =	sst s0;
	s0 =	simm.s32 @!p1 $0x0  }
0x14: {  	s2 =	sld [smem:$0x3F99];
	s0 =	simm.s32 @p1 $0x1  }
0x15: {  	[smem:$0x3FB6] =	sst s0;
	s0 =	simm.s32 @!p2 $0x0  }
0x16: {  	s3 =	sld [smem:$0x3FDB];
	s0 =	simm.s32 @p2 $0x1  }
0x17: {  	s4 =	simm.s32 $0x1BF5;
	[smem:$0x3FB8] =	sst s0  }
0x18: {  	s0 =	sld [smem:$0x3F9B];
	_ =	swait.ge [sflag:s4], $0x0  }
0x19: {  	s7 =	sld [smem:$0x3F9C]  }
0x1a: {  	s8 =	sadd.s32 $0xFFFFE003, lr  }
0x1b: {  	s9 =	sadd.s32 $0xFFFFFEF7, lr;
	s5 =	simm.s32 $0xFFFFFFFF;
	p2 =	slt.u32 s8, $0xFFFFF086  }
0x1c: {  	p1 =	slt.u32 s9, $0xF7A;
	s5 =	simm.s32 @!p2 $0x0  }
0x1d: {  	s5 =	simm.s32 @p1 $0x1;
	p0 =	seq.s32 s7, s2  }
0x1e: {  	s7 =	smul.u32 @!p0 $0xF7A, s2;
	p2 =	seq.s32 @!p0 s5, $0x0  }
0x1f: {  	s9 =	smul.u32 $0xF7A, s1;
	s8 =	simm.s32 @!p0 $0x1BF5;
	p2 =	por !p2, p0  }
0x20: {  	[sflag:s8] =	ssyncset.s32 @!p0 $0xFFFFF086;
	s6 =	sadd.s32 @!p0 s3, s7;
	s7 =	simm.s32 @!p0 $0x108  }
0x21: {  	s3 =	sadd.s32 s3, s9;
	s6 =	sadd.s32 @!p0 $0x88, s6;
	s7 =	simm.s32 @p2 $0x1082  }
0x22: {  	[simem:s7], [sflag:s8] =	dma.local @!p0 [hbm:s6], $0xF7A  }
0x23: {  	s9 =	sor.u32 $0xD0000000, s2;
	s6 =	simm.s32 $0x108;
	_ =	swait.ge @!p0 [sflag:s8], $0x0  }
0x24: {  	s3 =	sadd.s32 $0x88, s3;
	s6 =	simm.s32 @!p1 $0x1082;
	[sflag:s4] =	ssyncset.s32 $0xFFFFF086  }
0x25: {  	[simem:s6], [sflag:s4] =	dma.local [hbm:s3], $0xF7A  }
0x26: {  	[smem:$0x3F9C] =	sst s1;
	(tag) =	ssettag s2;
	_ =	strace s9  }
0x27: {  	s1 =	sld [smem:$0x3FAC]  }
0x28: {  	s2 =	sld [smem:$0x3FAD]  }
0x29: {  	s4 =	sld [smem:$0x3FAF]  }
0x2a: {  	p0 =	seq.s32 s5, $0x0;
	s5 =	sld [smem:$0x3FB0]  }
0x2b: {  	s6 =	sld [smem:$0x3FB1]  }
0x2c: {  	s7 =	sld [smem:$0x3FB2]  }
0x2d: {  	s3 =	simm.s32 $0x108;
	s8 =	sld [smem:$0x3FB3]  }
0x2e: {  	s3 =	simm.s32 @!p0 $0x1082;
	s9 =	sld [smem:$0x3FB4]  }
0x2f: {  	lr =	sadd.s32 s0, s3;
	s0 =	sld [smem:$0x3FAB]  }
0x30: {  	s3 =	sld [smem:$0x3FAE]  }
0x31: {  	[smem:$0x3FB7] =	sst s10  }
0x32: {  	s10 =	sld [smem:$0x3FB5];
	_ =	sdelay $0x3  }
0x33: {  	p0 =	seq.s32 s10, $0x1;
	s10 =	sld [smem:$0x3FB7];
	_ =	sdelay $0x3  }
0x34: {  	[smem:$0x3FB7] =	sst s10  }
0x35: {  	s10 =	sld [smem:$0x3FB6];
	_ =	sdelay $0x3  }
0x36: {  	p1 =	seq.s32 s10, $0x1;
	s10 =	sld [smem:$0x3FB7];
	_ =	sdelay $0x3  }
0x37: {  	[smem:$0x3FB7] =	sst s10  }
0x38: {  	s10 =	sld [smem:$0x3FB8]  }
0x39: {  	_ = 	snop;
	(pc) =	sbr.ind lr, $3  }
0x3a: {  	_ = 	snop  }
0x3b: {  	_ = 	snop  }
0x3c: {  	p2 =	seq.s32 s10, $0x1;
	s10 =	sld [smem:$0x3FB7]  }
0x3d: {  	_ =	shalt  }
0x3e: {  	_ =	shalt  }
0x3f: {  	_ =	shalt  }
0x40: {  	_ =	shalt  }
0x41: {  	_ =	shalt  }
0x42: {  	_ =	shalt  }
0x43: {  	_ =	shalt  }
0x44: {  	_ =	shalt  }
0x45: {  	_ =	shalt  }
0x46: {  	_ =	shalt  }
0x47: {  	_ =	shalt  }
0x48: {  	_ =	shalt  }
0x49: {  	_ =	shalt  }
0x4a: {  	_ =	shalt  }
0x4b: {  	_ =	shalt  }
0x4c: {  	_ =	shalt  }
0x4d: {  	_ =	shalt  }
0x4e: {  	_ =	shalt  }
0x4f: {  	_ =	shalt  }
0x50: {  	_ =	shalt  }
0x51: {  	_ =	shalt  }
0x52: {  	_ =	shalt  }
0x53: {  	_ =	shalt  }
0x54: {  	_ =	shalt  }
0x55: {  	_ =	shalt  }
0x56: {  	_ =	shalt  }
0x57: {  	_ =	shalt  }
0x58: {  	_ =	shalt  }
0x59: {  	_ =	shalt  }
0x5a: {  	_ =	shalt  }
0x5b: {  	_ =	shalt  }
0x5c: {  	_ =	shalt  }
0x5d: {  	_ =	shalt  }
0x5e: {  	_ =	shalt  }
0x5f: {  	_ =	shalt  }
0x60: {  	_ =	shalt  }
0x61: {  	_ =	shalt  }
0x62: {  	_ =	shalt  }
0x63: {  	_ =	shalt  }
0x64: {  	_ =	shalt  }
0x65: {  	_ =	shalt  }
0x66: {  	_ =	shalt  }
0x67: {  	_ =	shalt  }
0x68: {  	_ =	shalt  }
0x69: {  	_ =	shalt  }
0x6a: {  	_ =	shalt  }
0x6b: {  	_ =	shalt  }
0x6c: {  	_ =	shalt  }
0x6d: {  	_ =	shalt  }
0x6e: {  	_ =	shalt  }
0x6f: {  	_ =	shalt  }
0x70: {  	_ =	shalt  }
0x71: {  	_ =	shalt  }
0x72: {  	_ =	shalt  }
0x73: {  	_ =	shalt  }
0x74: {  	_ =	shalt  }
0x75: {  	_ =	shalt  }
0x76: {  	_ =	shalt  }
0x77: {  	_ =	shalt  }
0x78: {  	_ =	shalt  }
0x79: {  	_ =	shalt  }
0x7a: {  	_ =	shalt  }
0x7b: {  	_ =	shalt  }
0x7c: {  	_ =	shalt  }
0x7d: {  	_ =	shalt  }
0x7e: {  	_ =	shalt  }
0x7f: {  	_ =	shalt  }
0x80: {  	_ =	shalt  }
0x81: {  	_ =	shalt  }
0x82: {  	_ =	shalt  }
0x83: {  	_ =	shalt  }
0x84: {  	_ =	shalt  }
0x85: {  	_ =	shalt  }
0x86: {  	_ =	shalt  }
0x87: {  	_ =	shalt  }
.Lfunc_end0:
.L_simem_size_0:
called_computation_lowered:
.L_overlay_start_0:
0x88: {  	s2 =	sld [smem:$0x3FD9]  }
0x89: {  	s3 =	sld [smem:$0x3FFE];
	_ =	sdelay $0x1  }
0x8a: {  	s1 =	srdreg.scid  }
0x8b: {  	s0 =	sand.u32 $0x1, s1  }
0x8c: {  	s17 =	sshll.u32 s0, $0xA;
	s2 =	sadd.s32 s3, s2  }
0x8d: {  	s2 =	sadd.s32 s2, s17  }
0x8e: {  	[smem:$0x3FC3] =	sst s2  }
0x8f: {  	_ = 	snop  }
0x90: {  	s2 =	sld [smem:$0x3FD0];
	(tm) =	ssettm $0x1  }
0x91: {  	s18 =	sld [smem:$0x3FFB];
	_ =	sdelay $0x3  }
0x92: {  	_ =	strace s18  }
0x93: {  	s3 =	sld [smem:$0x3FFC];
	_ =	sdelay $0x3  }
0x94: {  	_ =	strace s3  }
0x95: {  	s3 =	sld [smem:$0x3FFD];
	_ =	sdelay $0x3  }
0x96: {  	_ =	strace s3  }
0x97: {  	_ =	strace $0x8FFFFFFF  }
0x98: {  	s19 =	sld [smem:$0x3FDB];
	_ =	sdelay $0x1  }
0x99: {  	s4 =	simm.s32 $_scs_section_size  }
0x9a: {  	s5 =	simm.s32 $_size__tile_overlayer_lowered;
	s6 =	simm.s32 $_tile_overlayer_lowered  }
0x9b: {  	s22 =	simm.s32 $0x1BFF;
	s21 =	sshll.u32 s6, $0x1;
	s3 =	sadd.s32 s4, s19  }
0x9c: {  	s7 =	simm.s32 $0x0;
	s20 =	sshll.u32 s5, $0x1;
	s5 =	sadd.s32 s21, s3  }
0x9d: {  	[timem:s7], [sflag:s22] =	dma.local [hbm:s5], s20  }
0x9e: {  	_ =	swait.ge [sflag:s22], s20  }
0x9f: {  	s4 =	ssub.s32 $0x0, s20;
	[sflag:s22] =	ssyncset.done $0x0  }
0xa0: {  	[sflag:s22] =	ssyncadd.s32 s4;
	_ =	sdelay $0x1  }
0xa1: {  	s23 =	simm.s32 $0x1B8B  }
0xa2: {  	_ =	swait.ge [sflag:s23], $0x1  }
0xa3: {  	[sflag:s23] =	ssyncset.done $0x0  }
0xa4: {  	s25 =	simm.s32 $0x1B8E;
	s24 =	sld [smem:$0x3FFE];
	[sflag:s23] =	ssyncadd.s32 $0xFFFFFFFF  }
0xa5: {  	s26 =	simm.s32 $execute0_lowered;
	[smem:$0x3FD2] =	sst s25  }
0xa6: {  	s5 =	sshll.u32 s26, $0x1;
	_ =	strace $0x80000046;
	[dreg:$0x1] =	wrdreg $0xFFFFFFFF  }
0xa7: {  	s28 =	simm.s32 $_size_execute0_lowered;
	s3 =	sadd.s32 s3, s5;
	[dreg:$0x0] =	wrdreg $0x0  }
0xa8: {  	s5 =	sshll.u32 s28, $0x1;
	[dreg:$0x2] =	wrdreg s3  }
0xa9: {  	[dreg:$0x3] =	wrdreg s5  }
0xaa: {  	[dreg:$0x4] =	wrdreg $0xC0  }
0xab: {  	_ =	task [dreg:s7], $0x5FFFF  }
0xac: {  	[dreg:$0x1] =	wrdreg $0xFFFFFFFF  }
0xad: {  	[dreg:$0x0] =	wrdreg $0x60  }
0xae: {  	[dreg:$0x2] =	wrdreg s24  }
0xaf: {  	[dreg:$0x3] =	wrdreg s2  }
0xb0: {  	[dreg:$0x4] =	wrdreg $0x9  }
0xb1: {  	_ =	task.clear_ibuf [dreg:s7], $0x5FFFF;
	_ =	strace $0x90000046  }
0xb2: {  	s29 =	simm.s32 $0x9;
	_ =	strace $0x80000048  }
0xb3: {  	_ =	swait.ge [sflag:s29], $0x1  }
0xb4: {  	[sflag:s29] =	ssyncadd.s32 $0xFFFFFFFF  }
0xb5: {  	_ =	strace $0x90000048  }
0xb6: {  	_ =	sfence  }
0xb7: {  	s30 =	sld [smem:$0x0];
	_ =	sdelay $0x2  }
0xb8: {  	s31 =	sshll.u32 s1, $0xD;
	s1 =	sshrl.u32 s1, $0x2  }
0xb9: {  	s3 =	sand.u32 $0x4000, s31;
	s1 =	sadd.s32 s1, s30  }
0xba: {  	s0 =	sor.u32 s3, s0;
	s1 =	sshll.u32 s1, $0x11  }
0xbb: {  	s0 =	sor.u32 s1, s0  }
0xbc: {  	s0 =	sadd.s32 $0x8F2B, s0  }
0xbd: {  	[sflag:s0] =	ssyncadd.remote.s32 $0x1  }
0xbe: {  	_ =	sfence.sel $0xFFFF  }
0xbf: {  	[dreg:$0x0] =	wrdreg $0xFFFFFFFF;
	(pc) =	sbr.abs _section_cstart, $3  }
0xc0: {  	[dreg:$0x1] =	wrdreg $0xFFFFFFFF  }
0xc1: {  	_ =	task.clear_ibuf [dreg:s7], $0x2FFFF;
	_ =	strace $0x9FFFFFFF  }
0xc2: {  	(tm) =	ssettm $0x7FFFFFFF  }
0xc3: {  	_ =	shalt  }
tec
execute0_lowered:
.L_overlay_start_1:
0x0: {  	(tag) =	ssettag $0x1  }
0x1: {  	s0 =	srdreg.scid;
	v0 =	vlaneseq.u32;
	v1 =	vimm.f32 $0.0e+00;
	v3 =	vimm.f32 $1.000000000e+00  }
0x2: {  	s1 =	rddreg [dreg:$0x0];
	s2 =	stileid.u32;
	v23 =	vimm.s32 $0xC3C2C1C0;
	v25 =	vimm.s32 $0xC4C3C2C1;
	vm0 =	vcmask $0xF00  }
0x3: {  	s6 =	rddreg [dreg:$0x1];
	s11 =	simm.s32 $0x48;
	s14 =	simm.s32 $0x9600;
	vm1 =	vcmask $0x1F10;
	v28 =	vimm.s32 $0x1;
	v2 =	vadd.s32 $0x1, v0  }
0x4: {  	s15 =	simm.s32 $0x148;
	s16 =	simm.s32 $0xB600;
	s17 =	simm.s32 $0x190;
	v4 =	vor.u32 $0x10, v0;
	v5 =	vadd.s32 $0x11, v0;
	v6 =	vor.u32 $0x20, v0  }
0x5: {  	s18 =	simm.s32 $0xC800;
	s19 =	simm.s32 $0x210;
	s20 =	simm.s32 $0xE800;
	v7 =	vadd.s32 $0x21, v0;
	v8 =	vor.u32 $0x30, v0;
	v9 =	vadd.s32 $0x31, v0  }
0x6: {  	s21 =	simm.s32 $0x258;
	s22 =	simm.s32 $0xFA00;
	s23 =	simm.s32 $0x2D8;
	v10 =	vor.u32 $0x40, v0;
	v11 =	vadd.s32 $0x41, v0;
	v12 =	vor.u32 $0x50, v0  }
0x7: {  	s24 =	simm.s32 $0x11A00;
	s25 =	simm.s32 $0x1;
	s26 =	simm.s32 $0x14C00;
	v13 =	vadd.s32 $0x51, v0;
	v14 =	vor.u32 $0x60, v0;
	v15 =	vadd.s32 $0x61, v0  }
0x8: {  	s28 =	simm.s32 $0x12C00;
	s29 =	simm.s32 $0x0;
	s0 =	sand.u32 $0x1, s0;
	v16 =	vor.u32 $0x70, v0;
	v17 =	vadd.s32 $0x71, v0;
	v18 =	vor.u32 $0x80, v0  }
0x9: {  	s3 =	sshll.u32 s2, $0x8;
	s2 =	simm.s32 $0x0;
	v19 =	vadd.s32 $0x81, v0;
	v24 =	vunpack.c.0.s8.s32 v23;
	v23 =	vimm.s32 $0xC7C6C5C4;
	s4 =	sshll.u32 s0, $0x7  }
0xa: {  	v20 =	vor.u32 $0x90, v0;
	v25 =	vunpack.c.0.s8.s32 v25;
	[smem:$0x7FF] =	sst s2;
	s0 =	ssub.s32 $0x2, s0;
	v26 =	vunpack.c.0.s8.s32 v23;
	s4 =	sor.u32 s4, s3  }
0xb: {  	v21 =	vadd.s32 $0x91, v0;
	v22 =	vor.u32 $0xA0, v0;
	_ =	strace $0x80000047;
	s8 =	sshrl.u32 s0, $0x1;
	v27 =	vnsel vm0, $0xC7, v24;
	s3 =	smul.u32 $0x19, s4  }
0xc: {  	v23 =	vadd.s32 $0xA1, v0;
	s7 =	sshll.u32 s4, $0x3;
	s9 =	smul.u32 $0x1A, s4;
	s0 =	ssub.s32 s0, s8;
	v26 =	vsel vm1, v26, v27;
	v27 =	vand.u32 $0xFF, v25  }
0xd: {  	v24 =	vor.u32 $0xB0, v0;
	s8 =	simm.s32 $0x2;
	v27 =	vnsel vm0, $0xC7, v27;
	vm0 =	vcmask $0x1310;
	s5 =	sadd.s32 s3, s1;
	s3 =	sadd.s32 $0x187C00, s1  }
0xe: {  	v25 =	vadd.s32 $0xB1, v0;
	s1 =	sadd.s32 s7, s1;
	s6 =	sadd.s32 s6, s9;
	s7 =	smax.u32 s0, $0x1;
	v27 =	vsel vm0, $0xC5, v27;
	vm0 =	vcmask $0x1714  }
0xf: {  	v26 =	vand.u32 $0xFF, v26;
	s9 =	simm.s32 $0x80;
	s4 =	sadd.s32 $0x1200, s5;
	s5 =	sadd.s32 $0x1A200, s1;
	v27 =	vsel vm0, $0xC6, v27;
	vm0 =	vmmov $0x7f  }
.LBB2_1:
0x10: {  	[tilespmem:s2], [sflag:$0x2] =	stream.linear.gather [hbm4b:s4+s2], $0x6400, $0x38;
	[tilespmem:$0x1B400] =	vst v63  }
0x11: {  	_ =	swait.ge [sflag:s8], $0x6400  }
0x12: {  	[sflag:s8] =	ssyncset.done $0x0  }
0x13: {  	s0 =	simm.s32 $0x0;
	s1 =	simm.s32 $0x340;
	[sflag:s8] =	ssyncadd.s32 $0xFFFF9C00  }
.LBB2_2:
0x14: {  	p0 =	sne.s32 s1, $0x19CC0;
	[tilespmem:s0+$0x14CC0] =	vst v1  }
0x15: {  	[tilespmem:s0+$0x14C00] =	vst v1  }
0x16: {  	[tilespmem:s0+$0x14C10] =	vst v1  }
0x17: {  	[tilespmem:s0+$0x14C20] =	vst v1  }
0x18: {  	[tilespmem:s0+$0x14C30] =	vst v1  }
0x19: {  	[tilespmem:s0+$0x14C40] =	vst v1  }
0x1a: {  	[tilespmem:s0+$0x14C50] =	vst v1  }
0x1b: {  	[tilespmem:s0+$0x14C60] =	vst v1  }
.Ltmp0:
0x1c: {  	[tilespmem:s0+$0x14C70] =	vst v1;
	(pc) =	sbr.rel @p0 .LBB2_2-.Ltmp0, $4  }
0x1d: {  	[tilespmem:s0+$0x14C80] =	vst v1  }
0x1e: {  	[tilespmem:s0+$0x14C90] =	vst v1  }
0x1f: {  	[tilespmem:s0+$0x14CA0] =	vst v1  }
0x20: {  	[tilespmem:s0+$0x14CB0] =	vst v1;
	s0 =	sshra.s32 s1, $0x2;
	s1 =	sadd.s32 $0x340, s1  }
0x21: {  	[tilespmem:s0+$0x14CC0] =	vst v1  }
0x22: {  	[tilespmem:s0+$0x14C00] =	vst v1  }
0x23: {  	[tilespmem:s0+$0x14C10] =	vst v1  }
0x24: {  	[tilespmem:s0+$0x14C20] =	vst v1  }
0x25: {  	[tilespmem:s0+$0x14C30] =	vst v1  }
0x26: {  	[tilespmem:s0+$0x14C40] =	vst v1  }
0x27: {  	[tilespmem:s0+$0x14C50] =	vst v1  }
0x28: {  	[tilespmem:s0+$0x14C60] =	vst v1  }
0x29: {  	[tilespmem:s0+$0x14C70] =	vst v1  }
0x2a: {  	[tilespmem:s0+$0x14C80] =	vst v1  }
0x2b: {  	[tilespmem:s0+$0x14C90] =	vst v1  }
0x2c: {  	[tilespmem:s0+$0x14CA0] =	vst v1  }
0x2d: {  	[tilespmem:s0+$0x14CB0] =	vst v1;
	s30 =	simm.s32 $0x0;
	s10 =	simm.s32 $0x6400  }
0x2e: {  	[tilespmem:s10], [sflag:$0x1] =	stream.indirect.gather [hbm4b:s3+s9], $0x40, s30, s9, $0xb8;
	[tilespmem:$0x1B400] =	vst v63  }
0x2f: {  	s12 =	simm.s32 $0x8400  }
0x30: {  	[tilespmem:s12], [sflag:$0x1] =	stream.indirect.gather [hbm4b:s3+s11], $0x40, s9, s11, $0xb8;
	[tilespmem:$0x1B400] =	vst v63  }
0x31: {  	s13 =	simm.s32 $0xC8  }
0x32: {  	[tilespmem:s14], [sflag:$0x1] =	stream.indirect.gather [hbm4b:s3+s9], $0x40, s13, s9, $0xb8;
	[tilespmem:$0x1B400] =	vst v63  }
0x33: {  	_ = 	snop  }
0x34: {  	[tilespmem:s16], [sflag:$0x1] =	stream.indirect.gather [hbm4b:s3+s11], $0x40, s15, s11, $0xb8;
	[tilespmem:$0x1B400] =	vst v63  }
0x35: {  	_ = 	snop  }
0x36: {  	[tilespmem:s18], [sflag:$0x1] =	stream.indirect.gather [hbm4b:s3+s9], $0x40, s17, s9, $0xb8;
	[tilespmem:$0x1B400] =	vst v63  }
0x37: {  	_ = 	snop  }
0x38: {  	[tilespmem:s20], [sflag:$0x1] =	stream.indirect.gather [hbm4b:s3+s11], $0x40, s19, s11, $0xb8;
	[tilespmem:$0x1B400] =	vst v63  }
0x39: {  	_ = 	snop  }
0x3a: {  	[tilespmem:s22], [sflag:$0x1] =	stream.indirect.gather [hbm4b:s3+s9], $0x40, s21, s9, $0xb8;
	[tilespmem:$0x1B400] =	vst v63  }
0x3b: {  	s31 =	simm.s32 $0x0  }
0x3c: {  	[tilespmem:s24], [sflag:$0x1] =	stream.indirect.gather [hbm4b:s3+s11], $0x40, s23, s11, $0xb8;
	[tilespmem:$0x1B400] =	vst v63  }
.LBB2_4:
0x3d: {  	s0 =	sand.u32 $0x3, s30  }
0x3e: {  	s0 =	smul.u32 $0xC800, s0;
	_ =	sdelay $0x1  }
0x3f: {  	s0 =	sshrl.u32 s0, $0x2  }
0x40: {  	_ =	swait.ge [sflag:s25], $0x2000;
	s0 =	sadd.s32 $0x6400, s0  }
0x41: {  	[sflag:s25] =	ssyncset.done $0x0;
	v29 =	vmov s0  }
0x42: {  	[sflag:s25] =	ssyncadd.s32 $0xFFFFE000  }
0x43: {  	_ =	swait.ge [sflag:s25], $0x1200  }
0x44: {  	[sflag:s25] =	ssyncset.done $0x0  }
0x45: {  	s10 =	simm.s32 $0x0;
	[sflag:s25] =	ssyncadd.s32 $0xFFFFEE00  }
0x46: {  	v30 =	vld.idx.msk [tilespmem:v29+s10+$0x1C0 ss:$0x1], $0xffff  }
0x47: {  	v31 =	vld.idx.msk [tilespmem:v29+s10+$0x1D0 ss:$0x1], $0xffff  }
0x48: {  	v33 =	vld.idx.msk [tilespmem:v29+s10+$0x180 ss:$0x1], $0xffff  }
0x49: {  	v32 =	vld.idx.msk [tilespmem:v29+s10+$0x190 ss:$0x1], $0xffff  }
0x4a: {  	v34 =	vld.idx.msk [tilespmem:v29+s10+$0x140 ss:$0x1], $0xffff  }
0x4b: {  	v35 =	vld.idx.msk [tilespmem:v29+s10+$0x150 ss:$0x1], $0xffff  }
0x4c: {  	v36 =	vld.idx.msk [tilespmem:v29+s10+$0x100 ss:$0x1], $0xffff  }
0x4d: {  	v37 =	vld.idx.msk [tilespmem:v29+s10+$0x110 ss:$0x1], $0xffff  }
0x4e: {  	v39 =	vld.idx.msk [tilespmem:v29+s10+$0xC0 ss:$0x1], $0xffff  }
0x4f: {  	v38 =	vld.idx.msk [tilespmem:v29+s10+$0xD0 ss:$0x1], $0xffff  }
0x50: {  	v41 =	vld.idx.msk [tilespmem:v29+s10+$0x80 ss:$0x1], $0xffff  }
0x51: {  	v40 =	vld.idx.msk [tilespmem:v29+s10+$0x90 ss:$0x1], $0xffff  }
0x52: {  	s13 =	sand.u32 $0x3, s31;
	v46 =	vld.idx.msk [tilespmem:v29+s10+$0x40 ss:$0x1], $0xffff  }
0x53: {  	s0 =	smul.u32 $0xC800, s13;
	v47 =	vld.idx.msk [tilespmem:v29+s10+$0x50 ss:$0x1], $0xffff  }
0x54: {  	v48 =	vld.idx.msk [tilespmem:v29+s10+$0x0 ss:$0x1], $0xffff  }
0x55: {  	v42 =	vimm.f32 $0.0e+00;
	s1 =	sshrl.u32 s0, $0x2;
	v50 =	vld.idx.msk [tilespmem:v29+s10+$0x10 ss:$0x1], $0xffff  }
0x56: {  	s12 =	simm.s32 $0x800;
	v45 =	vimm.f32 $0.0e+00;
	v44 =	vimm.f32 $0.0e+00;
	v43 =	vimm.f32 $0.0e+00;
	s0 =	sadd.s32 $0x6400, s1;
	v49 =	vld.idx.msk [tilespmem:v29+s10+$0x20 ss:$0x1], $0xffff  }
.LBB2_5:
0x57: {  	p0 =	sne.s32 s12, $0xC000;
	v51 =	vld.idx.msk [tilespmem:v29+s10+$0x30 ss:$0x1], $0xffff  }
0x58: {  	v52 =	vld.idx.msk [tilespmem:v29+s10+$0x60 ss:$0x1], $0xffff  }
0x59: {  	v53 =	vld.idx.msk [tilespmem:v29+s10+$0x70 ss:$0x1], $0xffff  }
0x5a: {  	v54 =	vld.idx.msk [tilespmem:v29+s10+$0xA0 ss:$0x1], $0xffff  }
0x5b: {  	v55 =	vld.idx.msk [tilespmem:v29+s10+$0xB0 ss:$0x1], $0xffff  }
0x5c: {  	v42 =	vadd.f32 v48, v42;
	v45 =	vadd.f32 v50, v45;
	v48 =	vld.idx.msk [tilespmem:v29+s10+$0xE0 ss:$0x1], $0xffff  }
0x5d: {  	v44 =	vadd.f32 v49, v44;
	v43 =	vadd.f32 v51, v43;
	v49 =	vld.idx.msk [tilespmem:v29+s10+$0xF0 ss:$0x1], $0xffff  }
0x5e: {  	v42 =	vadd.f32 v46, v42;
	v45 =	vadd.f32 v47, v45;
	v46 =	vld.idx.msk [tilespmem:v29+s10+$0x120 ss:$0x1], $0xffff  }
0x5f: {  	v44 =	vadd.f32 v52, v44;
	v43 =	vadd.f32 v53, v43;
	v47 =	vld.idx.msk [tilespmem:v29+s10+$0x130 ss:$0x1], $0xffff  }
0x60: {  	v41 =	vadd.f32 v41, v42;
	v40 =	vadd.f32 v40, v45;
	v42 =	vld.idx.msk [tilespmem:v29+s10+$0x160 ss:$0x1], $0xffff  }
0x61: {  	v44 =	vadd.f32 v54, v44;
	v43 =	vadd.f32 v55, v43;
	v45 =	vld.idx.msk [tilespmem:v29+s10+$0x170 ss:$0x1], $0xffff  }
0x62: {  	v39 =	vadd.f32 v39, v41;
	v38 =	vadd.f32 v38, v40;
	v40 =	vld.idx.msk [tilespmem:v29+s10+$0x1A0 ss:$0x1], $0xffff  }
0x63: {  	v41 =	vadd.f32 v48, v44;
	v43 =	vadd.f32 v49, v43;
	v44 =	vld.idx.msk [tilespmem:v29+s10+$0x1B0 ss:$0x1], $0xffff  }
0x64: {  	v36 =	vadd.f32 v36, v39;
	v37 =	vadd.f32 v37, v38;
	v38 =	vld.idx.msk [tilespmem:v29+s10+$0x1E0 ss:$0x1], $0xffff  }
0x65: {  	v39 =	vadd.f32 v46, v41;
	v41 =	vadd.f32 v47, v43;
	v43 =	vld.idx.msk [tilespmem:v29+s10+$0x1F0 ss:$0x1], $0xffff;
	s10 =	sshra.s32 s12, $0x2  }
0x66: {  	v34 =	vadd.f32 v34, v36;
	v35 =	vadd.f32 v35, v37;
	v46 =	vld.idx.msk [tilespmem:v29+s10+$0x1C0 ss:$0x1], $0xffff  }
0x67: {  	v36 =	vadd.f32 v42, v39;
	v37 =	vadd.f32 v45, v41;
	v47 =	vld.idx.msk [tilespmem:v29+s10+$0x1D0 ss:$0x1], $0xffff  }
0x68: {  	v39 =	vadd.f32 v33, v34;
	v35 =	vadd.f32 v32, v35;
	v33 =	vld.idx.msk [tilespmem:v29+s10+$0x180 ss:$0x1], $0xffff  }
0x69: {  	v36 =	vadd.f32 v40, v36;
	v37 =	vadd.f32 v44, v37;
	v32 =	vld.idx.msk [tilespmem:v29+s10+$0x190 ss:$0x1], $0xffff  }
0x6a: {  	v42 =	vadd.f32 v30, v39;
	v45 =	vadd.f32 v31, v35;
	v34 =	vld.idx.msk [tilespmem:v29+s10+$0x140 ss:$0x1], $0xffff  }
0x6b: {  	v44 =	vadd.f32 v38, v36;
	v43 =	vadd.f32 v43, v37;
	v35 =	vld.idx.msk [tilespmem:v29+s10+$0x150 ss:$0x1], $0xffff  }
0x6c: {  	v30 =	vmov v46;
	v36 =	vld.idx.msk [tilespmem:v29+s10+$0x100 ss:$0x1], $0xffff  }
0x6d: {  	v31 =	vmov v47;
	v37 =	vld.idx.msk [tilespmem:v29+s10+$0x110 ss:$0x1], $0xffff  }
0x6e: {  	v39 =	vld.idx.msk [tilespmem:v29+s10+$0xC0 ss:$0x1], $0xffff  }
0x6f: {  	v38 =	vld.idx.msk [tilespmem:v29+s10+$0xD0 ss:$0x1], $0xffff  }
0x70: {  	v41 =	vld.idx.msk [tilespmem:v29+s10+$0x80 ss:$0x1], $0xffff  }
0x71: {  	v40 =	vld.idx.msk [tilespmem:v29+s10+$0x90 ss:$0x1], $0xffff  }
.Ltmp1:
0x72: {  	v46 =	vld.idx.msk [tilespmem:v29+s10+$0x40 ss:$0x1], $0xffff;
	(pc) =	sbr.rel @p0 .LBB2_5-.Ltmp1, $4  }
0x73: {  	v47 =	vld.idx.msk [tilespmem:v29+s10+$0x50 ss:$0x1], $0xffff  }
0x74: {  	v48 =	vld.idx.msk [tilespmem:v29+s10+$0x0 ss:$0x1], $0xffff  }
0x75: {  	v50 =	vld.idx.msk [tilespmem:v29+s10+$0x10 ss:$0x1], $0xffff  }
0x76: {  	s12 =	sadd.s32 $0x800, s12;
	v49 =	vld.idx.msk [tilespmem:v29+s10+$0x20 ss:$0x1], $0xffff  }
0x77: {  	_ =	sdelay $0x3  }
0x78: {  	v51 =	vld.idx.msk [tilespmem:v29+s10+$0x30 ss:$0x1], $0xffff  }
0x79: {  	v52 =	vld.idx.msk [tilespmem:v29+s10+$0x60 ss:$0x1], $0xffff  }
0x7a: {  	v53 =	vld.idx.msk [tilespmem:v29+s10+$0x70 ss:$0x1], $0xffff;
	v42 =	vadd.f32 v48, v42  }
0x7b: {  	v62 =	vld.idx.msk [tilespmem:v29+s10+$0xA0 ss:$0x1], $0xffff;
	v45 =	vadd.f32 v50, v45  }
0x7c: {  	v63 =	vld.idx.msk [tilespmem:v29+s10+$0xB0 ss:$0x1], $0xffff;
	v44 =	vadd.f32 v49, v44;
	v42 =	vadd.f32 v46, v42  }
0x7d: {  	v49 =	vld.idx.msk [tilespmem:v29+s10+$0xE0 ss:$0x1], $0xffff;
	v43 =	vadd.f32 v51, v43;
	v45 =	vadd.f32 v47, v45  }
0x7e: {  	v54 =	vld.idx.msk [tilespmem:v29+s10+$0xF0 ss:$0x1], $0xffff;
	v44 =	vadd.f32 v52, v44;
	v41 =	vadd.f32 v41, v42  }
0x7f: {  	v55 =	vld.idx.msk [tilespmem:v29+s10+$0x120 ss:$0x1], $0xffff;
	v43 =	vadd.f32 v53, v43;
	v40 =	vadd.f32 v40, v45  }
0x80: {  	v56 =	vld.idx.msk [tilespmem:v29+s10+$0x130 ss:$0x1], $0xffff;
	v44 =	vadd.f32 v62, v44;
	v39 =	vadd.f32 v39, v41  }
0x81: {  	v57 =	vld.idx.msk [tilespmem:v29+s10+$0x160 ss:$0x1], $0xffff;
	v43 =	vadd.f32 v63, v43;
	v38 =	vadd.f32 v38, v40  }
0x82: {  	v58 =	vld.idx.msk [tilespmem:v29+s10+$0x170 ss:$0x1], $0xffff;
	v44 =	vadd.f32 v49, v44;
	v36 =	vadd.f32 v36, v39  }
0x83: {  	v59 =	vld.idx.msk [tilespmem:v29+s10+$0x1A0 ss:$0x1], $0xffff;
	v43 =	vadd.f32 v54, v43;
	v37 =	vadd.f32 v37, v38  }
0x84: {  	v60 =	vld.idx.msk [tilespmem:v29+s10+$0x1B0 ss:$0x1], $0xffff;
	v42 =	vadd.f32 v55, v44;
	v34 =	vadd.f32 v34, v36  }
0x85: {  	v61 =	vld.idx.msk [tilespmem:v29+s10+$0x1E0 ss:$0x1], $0xffff;
	v43 =	vadd.f32 v56, v43;
	v35 =	vadd.f32 v35, v37  }
0x86: {  	v62 =	vld.idx.msk [tilespmem:v29+s10+$0x1F0 ss:$0x1], $0xffff;
	v63 =	vmov s31;
	v41 =	vadd.f32 v57, v42;
	v33 =	vadd.f32 v33, v34  }
0x87: {  	v29 =	vmul.u32 $0xC8, v63;
	v40 =	vadd.f32 v58, v43;
	v32 =	vadd.f32 v32, v35  }
0x88: {  	s13 =	sshll.u32 s31, $0x6;
	v43 =	vadd.f32 v59, v41;
	v30 =	vadd.f32 v30, v33  }
0x89: {  	s10 =	sand.u32 $0x3FFFFFC0, s13;
	v45 =	vadd.s32 v2, v29;
	v44 =	vadd.f32 v60, v40;
	v31 =	vadd.f32 v31, v32  }
0x8a: {  	v35 =	vadd.f32 v61, v43;
	[tilespmem:s10+$0x12C00] =	vst v30  }
0x8b: {  	v30 =	vadd.f32 v62, v44;
	[tilespmem:s10+$0x12C10] =	vst v31;
	v31 =	vadd.s32 v0, v29  }
0x8c: {  	[tilespmem:s10+$0x12C20] =	vst v35  }
0x8d: {  	[tilespmem:s10+$0x12C30] =	vst v30  }
0x8e: {  	v30 =	vld.idx.msk [tilespmem:v45+s2+$0x0], $0xffff;
	_ =	sdelay $0x1  }
0x8f: {  	v31 =	vld.idx.msk [tilespmem:v31+s2+$0x0], $0xffff;
	_ =	sdelay $0x2  }
0x90: {  	v30 =	vmul.u32 $0x64, v30;
	_ =	sdelay $0x1  }
0x91: {  	v30 =	vadd.s32 v31, v30  }
0x92: {  	v31 =	vcvt.s32.f32 v30;
	_ =	sdelay $0x1  }
0x93: {  	v31 =	vmul.f32 $5.025125570e-03, v31;
	_ =	sdelay $0x1  }
0x94: {  	v31 =	vtrunc.f32 v31  }
0x95: {  	v31 =	vcvt.f32.s32 v31;
	_ =	sdelay $0x1  }
0x96: {  	v31 =	vmul.u32 $0xFFFFFF39, v31;
	_ =	sdelay $0x1  }
0x97: {  	v30 =	vadd.s32 v30, v31  }
0x98: {  	vm1 =	vlt.s32 v30, $0x0;
	v31 =	vadd.s32 $0xC7, v30  }
0x99: {  	v30 =	vsel vm1, v31, v30  }
0x9a: {  	vm1 =	vgt.s32 v30, $0xC6;
	v31 =	vadd.s32 $0xFFFFFF39, v30  }
0x9b: {  	v30 =	vsel vm1, v31, v30  }
0x9c: {  	v31 =	vadd.s32 $0x1, v30;
	v30 =	vmul.u32 $0xD0, v63  }
0x9d: {  	v46 =	vand.u32 $0xFFFFFFF8, v31  }
0x9e: {  	v31 =	vand.u32 $0x7, v31;
	v32 =	vadd.s32 v30, v46  }
0x9f: {  	v31 =	vor.u32 v31, v32  }
0xa0: {  	v47 =	vadd.s32 v5, v29;
	_ =	sdelay $0x1  }
0xa1: {  	v48 =	vadd.s32 v4, v29;
	_ =	sdelay $0x1  }
0xa2: {  	[tilespmem:v31+s26+$0x0] =	vst.idx.add.f32.msk $0xffff, v3  }
0xa3: {  	v31 =	vld.idx.msk [tilespmem:v47+s2+$0x0], $0xffff;
	_ =	sdelay $0x1  }
0xa4: {  	v49 =	vld.idx.msk [tilespmem:v48+s2+$0x0], $0xffff;
	_ =	sdelay $0x2  }
0xa5: {  	v31 =	vmul.u32 $0x64, v31;
	_ =	sdelay $0x1  }
0xa6: {  	v31 =	vadd.s32 v49, v31  }
0xa7: {  	v32 =	vcvt.s32.f32 v31;
	_ =	sdelay $0x1  }
0xa8: {  	v32 =	vmul.f32 $5.025125570e-03, v32;
	_ =	sdelay $0x1  }
0xa9: {  	v32 =	vtrunc.f32 v32  }
0xaa: {  	v32 =	vcvt.f32.s32 v32;
	_ =	sdelay $0x1  }
0xab: {  	v32 =	vmul.u32 $0xFFFFFF39, v32;
	_ =	sdelay $0x1  }
0xac: {  	v31 =	vadd.s32 v31, v32  }
0xad: {  	vm1 =	vlt.s32 v31, $0x0;
	v32 =	vadd.s32 $0xC7, v31  }
0xae: {  	v31 =	vsel vm1, v32, v31  }
0xaf: {  	vm1 =	vgt.s32 v31, $0xC6;
	v32 =	vadd.s32 $0xFFFFFF39, v31  }
0xb0: {  	v31 =	vsel vm1, v32, v31  }
0xb1: {  	v31 =	vadd.s32 $0x1, v31  }
0xb2: {  	v50 =	vand.u32 $0xFFFFFFF8, v31  }
0xb3: {  	v31 =	vand.u32 $0x7, v31;
	v32 =	vadd.s32 v30, v50  }
0xb4: {  	v31 =	vor.u32 v31, v32  }
0xb5: {  	v51 =	vadd.s32 v7, v29;
	_ =	sdelay $0x1  }
0xb6: {  	v52 =	vadd.s32 v6, v29;
	_ =	sdelay $0x1  }
0xb7: {  	[tilespmem:v31+s26+$0x0] =	vst.idx.add.f32.msk $0xffff, v3  }
0xb8: {  	v31 =	vld.idx.msk [tilespmem:v51+s2+$0x0], $0xffff;
	_ =	sdelay $0x1  }
0xb9: {  	v53 =	vld.idx.msk [tilespmem:v52+s2+$0x0], $0xffff;
	_ =	sdelay $0x2  }
0xba: {  	v31 =	vmul.u32 $0x64, v31;
	_ =	sdelay $0x1  }
0xbb: {  	v31 =	vadd.s32 v53, v31  }
0xbc: {  	v32 =	vcvt.s32.f32 v31;
	_ =	sdelay $0x1  }
0xbd: {  	v32 =	vmul.f32 $5.025125570e-03, v32;
	_ =	sdelay $0x1  }
0xbe: {  	v32 =	vtrunc.f32 v32  }
0xbf: {  	v32 =	vcvt.f32.s32 v32;
	_ =	sdelay $0x1  }
0xc0: {  	v32 =	vmul.u32 $0xFFFFFF39, v32;
	_ =	sdelay $0x1  }
0xc1: {  	v31 =	vadd.s32 v31, v32  }
0xc2: {  	vm1 =	vlt.s32 v31, $0x0;
	v32 =	vadd.s32 $0xC7, v31  }
0xc3: {  	v31 =	vsel vm1, v32, v31  }
0xc4: {  	vm1 =	vgt.s32 v31, $0xC6;
	v32 =	vadd.s32 $0xFFFFFF39, v31  }
0xc5: {  	v31 =	vsel vm1, v32, v31  }
0xc6: {  	v31 =	vadd.s32 $0x1, v31  }
0xc7: {  	v54 =	vand.u32 $0xFFFFFFF8, v31  }
0xc8: {  	v31 =	vand.u32 $0x7, v31;
	v32 =	vadd.s32 v30, v54  }
0xc9: {  	v31 =	vor.u32 v31, v32  }
0xca: {  	v55 =	vadd.s32 v9, v29;
	_ =	sdelay $0x1  }
0xcb: {  	v56 =	vadd.s32 v8, v29;
	_ =	sdelay $0x1  }
0xcc: {  	[tilespmem:v31+s26+$0x0] =	vst.idx.add.f32.msk $0xffff, v3  }
0xcd: {  	v31 =	vld.idx.msk [tilespmem:v55+s2+$0x0], $0xffff;
	_ =	sdelay $0x1  }
0xce: {  	v57 =	vld.idx.msk [tilespmem:v56+s2+$0x0], $0xffff;
	_ =	sdelay $0x2  }
0xcf: {  	v31 =	vmul.u32 $0x64, v31;
	_ =	sdelay $0x1  }
0xd0: {  	v31 =	vadd.s32 v57, v31  }
0xd1: {  	v32 =	vcvt.s32.f32 v31;
	_ =	sdelay $0x1  }
0xd2: {  	v32 =	vmul.f32 $5.025125570e-03, v32;
	_ =	sdelay $0x1  }
0xd3: {  	v32 =	vtrunc.f32 v32  }
0xd4: {  	v32 =	vcvt.f32.s32 v32;
	_ =	sdelay $0x1  }
0xd5: {  	v32 =	vmul.u32 $0xFFFFFF39, v32;
	_ =	sdelay $0x1  }
0xd6: {  	v31 =	vadd.s32 v31, v32  }
0xd7: {  	vm1 =	vlt.s32 v31, $0x0;
	v32 =	vadd.s32 $0xC7, v31  }
0xd8: {  	v31 =	vsel vm1, v32, v31  }
0xd9: {  	vm1 =	vgt.s32 v31, $0xC6;
	v32 =	vadd.s32 $0xFFFFFF39, v31  }
0xda: {  	v31 =	vsel vm1, v32, v31  }
0xdb: {  	v31 =	vadd.s32 $0x1, v31  }
0xdc: {  	v58 =	vand.u32 $0xFFFFFFF8, v31  }
0xdd: {  	v31 =	vand.u32 $0x7, v31;
	v32 =	vadd.s32 v30, v58  }
0xde: {  	v31 =	vor.u32 v31, v32  }
0xdf: {  	v59 =	vadd.s32 v11, v29;
	_ =	sdelay $0x1  }
0xe0: {  	v60 =	vadd.s32 v10, v29;
	_ =	sdelay $0x1  }
0xe1: {  	[tilespmem:v31+s26+$0x0] =	vst.idx.add.f32.msk $0xffff, v3  }
0xe2: {  	v31 =	vld.idx.msk [tilespmem:v59+s2+$0x0], $0xffff;
	_ =	sdelay $0x1  }
0xe3: {  	v61 =	vld.idx.msk [tilespmem:v60+s2+$0x0], $0xffff;
	_ =	sdelay $0x2  }
0xe4: {  	v31 =	vmul.u32 $0x64, v31;
	_ =	sdelay $0x1  }
0xe5: {  	v31 =	vadd.s32 v61, v31  }
0xe6: {  	v32 =	vcvt.s32.f32 v31;
	_ =	sdelay $0x1  }
0xe7: {  	v32 =	vmul.f32 $5.025125570e-03, v32;
	_ =	sdelay $0x1  }
0xe8: {  	v32 =	vtrunc.f32 v32  }
0xe9: {  	v32 =	vcvt.f32.s32 v32;
	_ =	sdelay $0x1  }
0xea: {  	v32 =	vmul.u32 $0xFFFFFF39, v32;
	_ =	sdelay $0x1  }
0xeb: {  	v31 =	vadd.s32 v31, v32  }
0xec: {  	vm1 =	vlt.s32 v31, $0x0;
	v32 =	vadd.s32 $0xC7, v31  }
0xed: {  	v31 =	vsel vm1, v32, v31  }
0xee: {  	vm1 =	vgt.s32 v31, $0xC6;
	v32 =	vadd.s32 $0xFFFFFF39, v31  }
0xef: {  	v31 =	vsel vm1, v32, v31  }
0xf0: {  	v31 =	vadd.s32 $0x1, v31  }
0xf1: {  	v62 =	vand.u32 $0xFFFFFFF8, v31  }
0xf2: {  	v31 =	vand.u32 $0x7, v31;
	v32 =	vadd.s32 v30, v62  }
0xf3: {  	v31 =	vor.u32 v31, v32  }
0xf4: {  	v63 =	vadd.s32 v13, v29;
	_ =	sdelay $0x1  }
0xf5: {  	v36 =	vadd.s32 v12, v29;
	_ =	sdelay $0x1  }
0xf6: {  	[tilespmem:v31+s26+$0x0] =	vst.idx.add.f32.msk $0xffff, v3  }
0xf7: {  	v31 =	vld.idx.msk [tilespmem:v63+s2+$0x0], $0xffff;
	_ =	sdelay $0x1  }
0xf8: {  	v37 =	vld.idx.msk [tilespmem:v36+s2+$0x0], $0xffff;
	_ =	sdelay $0x2  }
0xf9: {  	v31 =	vmul.u32 $0x64, v31;
	_ =	sdelay $0x1  }
0xfa: {  	v31 =	vadd.s32 v37, v31  }
0xfb: {  	v32 =	vcvt.s32.f32 v31;
	_ =	sdelay $0x1  }
0xfc: {  	v32 =	vmul.f32 $5.025125570e-03, v32;
	_ =	sdelay $0x1  }
0xfd: {  	v32 =	vtrunc.f32 v32  }
0xfe: {  	v32 =	vcvt.f32.s32 v32;
	_ =	sdelay $0x1  }
0xff: {  	v32 =	vmul.u32 $0xFFFFFF39, v32;
	_ =	sdelay $0x1  }
0x100: {  	v31 =	vadd.s32 v31, v32  }
0x101: {  	vm1 =	vlt.s32 v31, $0x0;
	v32 =	vadd.s32 $0xC7, v31  }
0x102: {  	v31 =	vsel vm1, v32, v31  }
0x103: {  	vm1 =	vgt.s32 v31, $0xC6;
	v32 =	vadd.s32 $0xFFFFFF39, v31  }
0x104: {  	v31 =	vsel vm1, v32, v31  }
0x105: {  	v31 =	vadd.s32 $0x1, v31  }
0x106: {  	v38 =	vand.u32 $0xFFFFFFF8, v31  }
0x107: {  	v31 =	vand.u32 $0x7, v31;
	v32 =	vadd.s32 v30, v38  }
0x108: {  	v31 =	vor.u32 v31, v32  }
0x109: {  	v39 =	vadd.s32 v15, v29;
	_ =	sdelay $0x1  }
0x10a: {  	v40 =	vadd.s32 v14, v29;
	_ =	sdelay $0x1  }
0x10b: {  	[tilespmem:v31+s26+$0x0] =	vst.idx.add.f32.msk $0xffff, v3  }
0x10c: {  	v31 =	vld.idx.msk [tilespmem:v39+s2+$0x0], $0xffff;
	_ =	sdelay $0x1  }
0x10d: {  	v41 =	vld.idx.msk [tilespmem:v40+s2+$0x0], $0xffff;
	_ =	sdelay $0x2  }
0x10e: {  	v31 =	vmul.u32 $0x64, v31;
	_ =	sdelay $0x1  }
0x10f: {  	v31 =	vadd.s32 v41, v31  }
0x110: {  	v32 =	vcvt.s32.f32 v31;
	_ =	sdelay $0x1  }
0x111: {  	v32 =	vmul.f32 $5.025125570e-03, v32;
	_ =	sdelay $0x1  }
0x112: {  	v32 =	vtrunc.f32 v32  }
0x113: {  	v32 =	vcvt.f32.s32 v32;
	_ =	sdelay $0x1  }
0x114: {  	v32 =	vmul.u32 $0xFFFFFF39, v32;
	_ =	sdelay $0x1  }
0x115: {  	v31 =	vadd.s32 v31, v32  }
0x116: {  	vm1 =	vlt.s32 v31, $0x0;
	v32 =	vadd.s32 $0xC7, v31  }
0x117: {  	v31 =	vsel vm1, v32, v31  }
0x118: {  	vm1 =	vgt.s32 v31, $0xC6;
	v32 =	vadd.s32 $0xFFFFFF39, v31  }
0x119: {  	v31 =	vsel vm1, v32, v31  }
0x11a: {  	v31 =	vadd.s32 $0x1, v31  }
0x11b: {  	v42 =	vand.u32 $0xFFFFFFF8, v31  }
0x11c: {  	v31 =	vand.u32 $0x7, v31;
	v32 =	vadd.s32 v30, v42  }
0x11d: {  	v31 =	vor.u32 v31, v32  }
0x11e: {  	v43 =	vadd.s32 v17, v29;
	_ =	sdelay $0x1  }
0x11f: {  	v44 =	vadd.s32 v16, v29;
	_ =	sdelay $0x1  }
0x120: {  	[tilespmem:v31+s26+$0x0] =	vst.idx.add.f32.msk $0xffff, v3  }
0x121: {  	v31 =	vld.idx.msk [tilespmem:v43+s2+$0x0], $0xffff;
	_ =	sdelay $0x1  }
0x122: {  	v45 =	vld.idx.msk [tilespmem:v44+s2+$0x0], $0xffff;
	_ =	sdelay $0x2  }
0x123: {  	v31 =	vmul.u32 $0x64, v31;
	_ =	sdelay $0x1  }
0x124: {  	v31 =	vadd.s32 v45, v31  }
0x125: {  	v32 =	vcvt.s32.f32 v31;
	_ =	sdelay $0x1  }
0x126: {  	v32 =	vmul.f32 $5.025125570e-03, v32;
	_ =	sdelay $0x1  }
0x127: {  	v32 =	vtrunc.f32 v32  }
0x128: {  	v32 =	vcvt.f32.s32 v32;
	_ =	sdelay $0x1  }
0x129: {  	v32 =	vmul.u32 $0xFFFFFF39, v32;
	_ =	sdelay $0x1  }
0x12a: {  	v31 =	vadd.s32 v31, v32  }
0x12b: {  	vm1 =	vlt.s32 v31, $0x0;
	v32 =	vadd.s32 $0xC7, v31  }
0x12c: {  	v31 =	vsel vm1, v32, v31  }
0x12d: {  	vm1 =	vgt.s32 v31, $0xC6;
	v32 =	vadd.s32 $0xFFFFFF39, v31  }
0x12e: {  	v31 =	vsel vm1, v32, v31  }
0x12f: {  	v31 =	vadd.s32 $0x1, v31  }
0x130: {  	v46 =	vand.u32 $0xFFFFFFF8, v31  }
0x131: {  	v31 =	vand.u32 $0x7, v31;
	v32 =	vadd.s32 v30, v46  }
0x132: {  	v31 =	vor.u32 v31, v32  }
0x133: {  	v47 =	vadd.s32 v19, v29;
	_ =	sdelay $0x1  }
0x134: {  	v48 =	vadd.s32 v18, v29;
	_ =	sdelay $0x1  }
0x135: {  	[tilespmem:v31+s26+$0x0] =	vst.idx.add.f32.msk $0xffff, v3  }
0x136: {  	v31 =	vld.idx.msk [tilespmem:v47+s2+$0x0], $0xffff;
	_ =	sdelay $0x1  }
0x137: {  	v49 =	vld.idx.msk [tilespmem:v48+s2+$0x0], $0xffff;
	_ =	sdelay $0x2  }
0x138: {  	v31 =	vmul.u32 $0x64, v31;
	_ =	sdelay $0x1  }
0x139: {  	v31 =	vadd.s32 v49, v31  }
0x13a: {  	v32 =	vcvt.s32.f32 v31;
	_ =	sdelay $0x1  }
0x13b: {  	v32 =	vmul.f32 $5.025125570e-03, v32;
	_ =	sdelay $0x1  }
0x13c: {  	v32 =	vtrunc.f32 v32  }
0x13d: {  	v32 =	vcvt.f32.s32 v32;
	_ =	sdelay $0x1  }
0x13e: {  	v32 =	vmul.u32 $0xFFFFFF39, v32;
	_ =	sdelay $0x1  }
0x13f: {  	v31 =	vadd.s32 v31, v32  }
0x140: {  	vm1 =	vlt.s32 v31, $0x0;
	v32 =	vadd.s32 $0xC7, v31  }
0x141: {  	v31 =	vsel vm1, v32, v31  }
0x142: {  	vm1 =	vgt.s32 v31, $0xC6;
	v32 =	vadd.s32 $0xFFFFFF39, v31  }
0x143: {  	v31 =	vsel vm1, v32, v31  }
0x144: {  	v31 =	vadd.s32 $0x1, v31  }
0x145: {  	v50 =	vand.u32 $0xFFFFFFF8, v31  }
0x146: {  	v31 =	vand.u32 $0x7, v31;
	v32 =	vadd.s32 v30, v50  }
0x147: {  	v31 =	vor.u32 v31, v32  }
0x148: {  	v51 =	vadd.s32 v21, v29;
	_ =	sdelay $0x1  }
0x149: {  	v52 =	vadd.s32 v20, v29;
	_ =	sdelay $0x1  }
0x14a: {  	[tilespmem:v31+s26+$0x0] =	vst.idx.add.f32.msk $0xffff, v3  }
0x14b: {  	v31 =	vld.idx.msk [tilespmem:v51+s2+$0x0], $0xffff;
	_ =	sdelay $0x1  }
0x14c: {  	v53 =	vld.idx.msk [tilespmem:v52+s2+$0x0], $0xffff;
	_ =	sdelay $0x2  }
0x14d: {  	v31 =	vmul.u32 $0x64, v31;
	_ =	sdelay $0x1  }
0x14e: {  	v31 =	vadd.s32 v53, v31  }
0x14f: {  	v32 =	vcvt.s32.f32 v31;
	_ =	sdelay $0x1  }
0x150: {  	v32 =	vmul.f32 $5.025125570e-03, v32;
	_ =	sdelay $0x1  }
0x151: {  	v32 =	vtrunc.f32 v32  }
0x152: {  	v32 =	vcvt.f32.s32 v32;
	_ =	sdelay $0x1  }
0x153: {  	v32 =	vmul.u32 $0xFFFFFF39, v32;
	_ =	sdelay $0x1  }
0x154: {  	v31 =	vadd.s32 v31, v32  }
0x155: {  	vm1 =	vlt.s32 v31, $0x0;
	v32 =	vadd.s32 $0xC7, v31  }
0x156: {  	v31 =	vsel vm1, v32, v31  }
0x157: {  	vm1 =	vgt.s32 v31, $0xC6;
	v32 =	vadd.s32 $0xFFFFFF39, v31  }
0x158: {  	v31 =	vsel vm1, v32, v31  }
0x159: {  	v31 =	vadd.s32 $0x1, v31  }
0x15a: {  	v54 =	vand.u32 $0xFFFFFFF8, v31  }
0x15b: {  	v31 =	vand.u32 $0x7, v31;
	v32 =	vadd.s32 v30, v54  }
0x15c: {  	v31 =	vor.u32 v31, v32  }
0x15d: {  	v55 =	vadd.s32 v23, v29;
	_ =	sdelay $0x1  }
0x15e: {  	v56 =	vadd.s32 v22, v29;
	_ =	sdelay $0x1  }
0x15f: {  	[tilespmem:v31+s26+$0x0] =	vst.idx.add.f32.msk $0xffff, v3  }
0x160: {  	v31 =	vld.idx.msk [tilespmem:v55+s2+$0x0], $0xffff;
	_ =	sdelay $0x1  }
0x161: {  	v57 =	vld.idx.msk [tilespmem:v56+s2+$0x0], $0xffff;
	_ =	sdelay $0x2  }
0x162: {  	v31 =	vmul.u32 $0x64, v31;
	_ =	sdelay $0x1  }
0x163: {  	v31 =	vadd.s32 v57, v31  }
0x164: {  	v32 =	vcvt.s32.f32 v31;
	_ =	sdelay $0x1  }
0x165: {  	v32 =	vmul.f32 $5.025125570e-03, v32;
	_ =	sdelay $0x1  }
0x166: {  	v32 =	vtrunc.f32 v32  }
0x167: {  	v32 =	vcvt.f32.s32 v32;
	_ =	sdelay $0x1  }
0x168: {  	v32 =	vmul.u32 $0xFFFFFF39, v32;
	_ =	sdelay $0x1  }
0x169: {  	v31 =	vadd.s32 v31, v32  }
0x16a: {  	vm1 =	vlt.s32 v31, $0x0;
	v32 =	vadd.s32 $0xC7, v31  }
0x16b: {  	v31 =	vsel vm1, v32, v31  }
0x16c: {  	vm1 =	vgt.s32 v31, $0xC6;
	v32 =	vadd.s32 $0xFFFFFF39, v31  }
0x16d: {  	v31 =	vsel vm1, v32, v31  }
0x16e: {  	v31 =	vadd.s32 $0x1, v31  }
0x16f: {  	v58 =	vand.u32 $0xFFFFFFF8, v31  }
0x170: {  	v31 =	vand.u32 $0x7, v31;
	v32 =	vadd.s32 v30, v58  }
0x171: {  	v31 =	vor.u32 v31, v32  }
0x172: {  	v59 =	vadd.s32 v25, v29;
	_ =	sdelay $0x1  }
0x173: {  	v60 =	vadd.s32 v24, v29;
	_ =	sdelay $0x1  }
0x174: {  	[tilespmem:v31+s26+$0x0] =	vst.idx.add.f32.msk $0xffff, v3  }
0x175: {  	v31 =	vld.idx.msk [tilespmem:v59+s2+$0x0], $0xffff;
	_ =	sdelay $0x1  }
0x176: {  	v61 =	vld.idx.msk [tilespmem:v60+s2+$0x0], $0xffff;
	_ =	sdelay $0x2  }
0x177: {  	v31 =	vmul.u32 $0x64, v31;
	_ =	sdelay $0x1  }
0x178: {  	v31 =	vadd.s32 v61, v31  }
0x179: {  	v32 =	vcvt.s32.f32 v31;
	_ =	sdelay $0x1  }
0x17a: {  	v32 =	vmul.f32 $5.025125570e-03, v32;
	_ =	sdelay $0x1  }
0x17b: {  	v32 =	vtrunc.f32 v32  }
0x17c: {  	v32 =	vcvt.f32.s32 v32;
	_ =	sdelay $0x1  }
0x17d: {  	v32 =	vmul.u32 $0xFFFFFF39, v32;
	_ =	sdelay $0x1  }
0x17e: {  	v31 =	vadd.s32 v31, v32  }
0x17f: {  	vm1 =	vlt.s32 v31, $0x0;
	v32 =	vadd.s32 $0xC7, v31  }
0x180: {  	v31 =	vsel vm1, v32, v31  }
0x181: {  	vm1 =	vgt.s32 v31, $0xC6;
	v32 =	vadd.s32 $0xFFFFFF39, v31  }
0x182: {  	v31 =	vsel vm1, v32, v31  }
0x183: {  	v31 =	vadd.s32 $0x1, v31  }
0x184: {  	v62 =	vand.u32 $0xFFFFFFF8, v31  }
0x185: {  	v31 =	vand.u32 $0x7, v31;
	v32 =	vadd.s32 v30, v62  }
0x186: {  	v31 =	vor.u32 v31, v32  }
0x187: {  	v63 =	vadd.s32 v27, v29;
	_ =	sdelay $0x1  }
0x188: {  	v29 =	vadd.s32 v26, v29;
	_ =	sdelay $0x1  }
0x189: {  	[tilespmem:v31+s26+$0x0] =	vst.idx.add.f32.msk $0xffff, v3  }
0x18a: {  	v31 =	vld.idx.msk [tilespmem:v63+s2+$0x0], $0xffff;
	_ =	sdelay $0x1  }
0x18b: {  	v29 =	vld.idx.msk [tilespmem:v29+s2+$0x0], $0xffff;
	_ =	sdelay $0x2  }
0x18c: {  	v31 =	vmul.u32 $0x64, v31;
	_ =	sdelay $0x1  }
0x18d: {  	v29 =	vadd.s32 v29, v31  }
0x18e: {  	v31 =	vcvt.s32.f32 v29;
	_ =	sdelay $0x1  }
0x18f: {  	v31 =	vmul.f32 $5.025125570e-03, v31;
	_ =	sdelay $0x1  }
0x190: {  	v31 =	vtrunc.f32 v31  }
0x191: {  	v31 =	vcvt.f32.s32 v31;
	_ =	sdelay $0x1  }
0x192: {  	v31 =	vmul.u32 $0xFFFFFF39, v31;
	_ =	sdelay $0x1  }
0x193: {  	v29 =	vadd.s32 v29, v31  }
0x194: {  	vm1 =	vlt.s32 v29, $0x0;
	v31 =	vadd.s32 $0xC7, v29  }
0x195: {  	v29 =	vsel vm1, v31, v29  }
0x196: {  	vm1 =	vgt.s32 v29, $0xC6  }
0x197: {  	v31 =	vsel vm1, $0xFFFFFF3A, v28  }
0x198: {  	v29 =	vadd.s32 v29, v31  }
0x199: {  	v29 =	vnsel vm0, $0x0, v29  }
0x19a: {  	v31 =	vand.u32 $0xFFFFFFF8, v29  }
0x19b: {  	v29 =	vand.u32 $0x7, v29;
	v30 =	vadd.s32 v30, v31  }
0x19c: {  	v29 =	vor.u32 v29, v30  }
0x19d: {  	p0 =	sgt.u32 s31, $0x7B  }
0x19e: {  	s10 =	smul.u32 @!p0 $0x320, s31;
	_ =	sdelay $0x1  }
0x19f: {  	s10 =	sshra.s32 @!p0 s10, $0x2  }
0x1a0: {  	s13 =	simm.s32 @!p0 $0x80;
	s31 =	sadd.s32 $0x1, s31;
	s12 =	sadd.s32 @!p0 $0x320, s10;
	[tilespmem:v29+s26+$0x0] =	vst.idx.add.f32.msk $0xffff, v3  }
0x1a1: {  	[tilespmem:s0], [sflag:$0x1] =	stream.indirect.gather @!p0 [hbm4b:s3+s13], $0x40, s12, s13, $0xb8;
	[tilespmem:$0x1B400] =	vst v63  }
0x1a2: {  	s0 =	sadd.s32 @!p0 $0x8400, s1;
	s1 =	sadd.s32 @!p0 $0x3A0, s10;
	s10 =	simm.s32 @!p0 $0x48  }
0x1a3: {  	[tilespmem:s0], [sflag:$0x1] =	stream.indirect.gather @!p0 [hbm4b:s3+s10], $0x40, s1, s10, $0xb8;
	[tilespmem:$0x1B400] =	vst v63  }
0x1a4: {  	p0 =	sne.s32 s31, $0x80  }
.Ltmp2:
0x1a5: {  	_ = 	snop;
	(pc) =	sbr.rel @p0 .LBB2_4-.Ltmp2, $2  }
0x1a6: {  	_ =	sdelay $0x2  }
0x1a7: {  	s30 =	sadd.s32 $0x1, s30  }
0x1a8: {  	[hbm4b:s5+s2] =	stream.linear.scatter [tilespmem:s28], [sflag:$0x2], $0x2000, $0x38;
	[tilespmem:$0x1B400] =	vst v63  }
0x1a9: {  	s29 =	sadd.s32 $0x1, s29;
	_ =	swait.ge [sflag:s8], $0x2000  }
0x1aa: {  	p0 =	sne.s32 s29, s7;
	[sflag:s8] =	ssyncset.done $0x0  }
.Ltmp3:
0x1ab: {  	[sflag:s8] =	ssyncadd.s32 $0xFFFFE000;
	(pc) =	sbr.rel @p0 .LBB2_1-.Ltmp3, $4  }
0x1ac: {  	[hbm4b:s6+s2] =	stream.linear.scatter [tilespmem:s26], [sflag:$0x2], $0x6800, $0x38;
	[tilespmem:$0x1B400] =	vst v63  }
0x1ad: {  	_ =	swait.ge [sflag:s8], $0x6800  }
0x1ae: {  	[sflag:s8] =	ssyncset.done $0x0  }
0x1af: {  	[sflag:s8] =	ssyncadd.s32 $0xFFFF9800  }
0x1b0: {  	_ =	sfence.sel $0x180000  }
0x1b1: {  	[bflag:$0x0] =	sbarrier.arrive $0xFFFF  }
0x1b2: {  	_ =	strace $0x90000047  }
0x1b3: {  	s0 =	stileid.u32;
	[bflag:$0x2] =	sbarrier.arrive $0xFFFF  }
0x1b4: {  	p0 =	sne.s32 s0, $0x0;
	s0 =	rddreg [dreg:$0x2]  }
0x1b5: {  	s0 =	sadd.s32 @!p0 $0x100000, s0  }
0x1b6: {  	[sflag:s0] =	ssyncadd.tile.s32 @!p0 $0x1;
	_ =	shalt  }
.Lfunc_end2:
_tile_overlayer_lowered:
.L_overlay_start_2:
0x1b7: {  	(tag) =	ssettag $0x2  }
0x1b8: {  	s0 =	rddreg [dreg:$0x0];
	s2 =	stileid.u32  }
0x1b9: {  	s1 =	rddreg [dreg:$0x1];
	p0 =	sne.s32 s2, $0x0  }
0x1ba: {  	s3 =	rddreg [dreg:$0x2];
	[bflag:$0x3] =	sbarrier.arrive $0xFFFF;
	s2 =	simm.s32 @!p0 $0x1C02  }
0x1bb: {  	[timem:s3], [sflag:s2] =	dma.local @!p0 [hbm:s0], s1  }
0x1bc: {  	s0 =	simm.s32 @!p0 $0x2  }
0x1bd: {  	_ =	swait.ge @!p0 [sflag:s0], s1  }
0x1be: {  	s1 =	ssub.s32 @!p0 $0x0, s1;
	[sflag:s0] =	ssyncset.done @!p0 $0x0  }
0x1bf: {  	[sflag:s0] =	ssyncadd.s32 @!p0 s1  }
0x1c0: {  	[bflag:$0x3] =	sbarrier.arrive $0xFFFF  }
0x1c1: {  	_ =	shalt  }

</sc_bundles>
